<compile_context>
chip_gen: v7x
topology: tpu7x:2x2x1
jax: 0.10.2.dev20260603
libtpu: 0.0.44.dev20260713+nightly
codegen_flags: <defaults>
</compile_context>

<pallas_src>
import functools

import jax
import jax.numpy as jnp
from jax import lax
from jax.experimental import pallas as pl
from jax.experimental.pallas import tpu as pltpu
from jax.experimental.pallas import tpu_sc as plsc

V1 = 4096
V2 = 4096
B = 32
L = 128
N = B * L
NC = 2
NS = 16
NW = NC * NS
C = N // NW
LANES = 16


def _sc_gather_body(d1_hbm, d2_hbm, cons_hbm, t1_hbm, t2_hbm, out_hbm,
                    t1_v, t2_v, idx1_v, idx2_v, idxc_v, g1_v, g2_v, gc_v, sem):
    wid = lax.axis_index("s") * NC + lax.axis_index("c")
    base = wid * C

    pltpu.sync_copy(t1_hbm.at[pl.ds(base, C)], t1_v)
    pltpu.sync_copy(t2_hbm.at[pl.ds(base, C)], t2_v)

    for j in range(C // LANES):
        sl = pl.ds(j * LANES, LANES)
        pos = lax.iota(jnp.int32, LANES) + (base + j * LANES)
        a = t1_v[sl]
        b = t2_v[sl]
        idx1_v[sl] = pos * V1 + a
        idx2_v[sl] = pos * V2 + b
        idxc_v[sl] = a * V2 + b

    cp1 = pltpu.async_copy(d1_hbm.at[idx1_v], g1_v, sem)
    cp2 = pltpu.async_copy(d2_hbm.at[idx2_v], g2_v, sem)
    cp3 = pltpu.async_copy(cons_hbm.at[idxc_v], gc_v, sem)
    cp1.wait()
    cp2.wait()
    cp3.wait()

    pltpu.sync_copy(g1_v, out_hbm.at[pl.ds(base, C)])
    pltpu.sync_copy(g2_v, out_hbm.at[pl.ds(N + base, C)])
    pltpu.sync_copy(gc_v, out_hbm.at[pl.ds(2 * N + base, C)])


_sc_gather = functools.partial(
    pl.kernel,
    out_type=jax.ShapeDtypeStruct((3 * N,), jnp.float32),
    mesh=plsc.VectorSubcoreMesh(
        core_axis_name="c", subcore_axis_name="s",
        num_cores=NC, num_subcores=NS),
    scratch_types=[
        pltpu.VMEM((C,), jnp.int32),
        pltpu.VMEM((C,), jnp.int32),
        pltpu.VMEM((C,), jnp.int32),
        pltpu.VMEM((C,), jnp.int32),
        pltpu.VMEM((C,), jnp.int32),
        pltpu.VMEM((C,), jnp.float32),
        pltpu.VMEM((C,), jnp.float32),
        pltpu.VMEM((C,), jnp.float32),
        pltpu.SemaphoreType.DMA,
    ],
)(_sc_gather_body)


def _tc_reduce_body(g_ref, out_ref):
    g1 = g_ref[pl.ds(0, N)]
    g2 = g_ref[pl.ds(N, N)]
    gc = jnp.clip(g_ref[pl.ds(2 * N, N)], 0.0, 1.0)
    s = jnp.sum(jnp.log(g1 * gc)) + jnp.sum(jnp.log(g2 * gc))
    out_ref[0, 0] = -s / jnp.float32(N)


_tc_reduce = pl.pallas_call(
    _tc_reduce_body,
    out_shape=jax.ShapeDtypeStruct((1, 1), jnp.float32),
    out_specs=pl.BlockSpec(memory_space=pltpu.SMEM),
)


def kernel(dec1_probs, dec2_probs, dec1_tgt, dec2_tgt, constrainer):
    d1 = dec1_probs.reshape(N * V1)
    d2 = dec2_probs.reshape(N * V2)
    cons = constrainer.reshape(V1 * V2)
    t1 = dec1_tgt.reshape(N)
    t2 = dec2_tgt.reshape(N)
    gathered = _sc_gather(d1, d2, cons, t1, t2)
    return _tc_reduce(gathered)[0, 0]

# --- scband reference (transcript-rebuilt; emitter-appended) ---
"""Pipeline reference for scband-constrainer-36936718746048 (READ-ONLY COPY).

The authoritative reference and input builder live on the scoring server;
editing this copy changes nothing except your own understanding.
"""

import jax, jax.numpy as jnp
import numpy as np

V1 = 4096
V2 = 4096
B = 32
L = 128


def setup_inputs(seed: int = 0) -> dict:
    key = jax.random.key(seed)
    k1, k2, k3, k4, k5 = jax.random.split(key, 5)
    dec1_probs = jax.random.uniform(k1, (B, L, V1), dtype=jnp.float32)
    dec2_probs = jax.random.uniform(k2, (B, L, V2), dtype=jnp.float32)
    dec1_tgt = jax.random.randint(k3, (B, L), 0, V1, dtype=jnp.int32)
    dec2_tgt = jax.random.randint(k4, (B, L), 0, V2, dtype=jnp.int32)
    constrainer = jax.random.uniform(k5, (V1, V2), minval=0.1, maxval=1.0, dtype=jnp.float32)
    return {
        'dec1_probs': dec1_probs,
        'dec2_probs': dec2_probs,
        'dec1_tgt': dec1_tgt,
        'dec2_tgt': dec2_tgt,
        'constrainer': constrainer,
    }


def _nll(logp, tgt):
    # NLLLoss with default ignore_index=-100, mean reduction over valid targets
    safe = jnp.where(tgt == -100, 0, tgt)
    g = jnp.take_along_axis(logp, safe[..., None], axis=-1)[..., 0]
    mask = (tgt != -100).astype(logp.dtype)
    return -(g * mask).sum() / mask.sum()


def reference(dec1_probs, dec2_probs, dec1_tgt, dec2_tgt, constrainer):
    pad = 0
    dec1_seq = jnp.where(dec1_tgt == -100, pad, dec1_tgt)
    dec2_seq = jnp.where(dec2_tgt == -100, pad, dec2_tgt)
    # gather rows of constrainer^T by dec2 tokens -> [B, L, V1]
    c1 = jnp.clip(jnp.take(constrainer.T, dec2_seq, axis=0), 0.0, 1.0)
    # gather rows of constrainer by dec1 tokens -> [B, L, V2]
    c2 = jnp.clip(jnp.take(constrainer, dec1_seq, axis=0), 0.0, 1.0)
    p1 = dec1_probs * c1
    p2 = dec2_probs * c2
    dec1_loss = _nll(jnp.log(p1), dec1_tgt)
    dec2_loss = _nll(jnp.log(p2), dec2_tgt)
    return dec1_loss + dec2_loss

if __name__ == "__main__":
    import jax
    _d = setup_inputs()
    print(jax.jit(kernel)(*tuple(_d.values())))

</pallas_src>

<mosaic_0001>
#map = affine_map<(d0, d1) -> (0)>
module attributes {stable_mosaic.version = 14 : i64} {
  func.func @_sc_gather_body(%arg0: i32, %arg1: i32, %arg2: memref<16777216xf32, #tpu.memory_space<hbm>>, %arg3: memref<16777216xf32, #tpu.memory_space<hbm>>, %arg4: memref<16777216xf32, #tpu.memory_space<hbm>>, %arg5: memref<4096xi32, #tpu.memory_space<hbm>>, %arg6: memref<4096xi32, #tpu.memory_space<hbm>>, %arg7: memref<12288xf32, #tpu.memory_space<hbm>>, %arg8: memref<128xi32, #tpu.memory_space<vmem>>, %arg9: memref<128xi32, #tpu.memory_space<vmem>>, %arg10: memref<128xi32, #tpu.memory_space<vmem>>, %arg11: memref<128xi32, #tpu.memory_space<vmem>>, %arg12: memref<128xi32, #tpu.memory_space<vmem>>, %arg13: memref<128xf32, #tpu.memory_space<vmem>>, %arg14: memref<128xf32, #tpu.memory_space<vmem>>, %arg15: memref<128xf32, #tpu.memory_space<vmem>>, %arg16: memref<!tpu.dma_semaphore, #tpu.memory_space<semaphore_mem>>) attributes {dimension_semantics = [#tpu.dimension_semantics<core_parallel>, #tpu.dimension_semantics<subcore_parallel>], iteration_bounds = array<i64: 2, 16>, scalar_prefetch = 0 : i64, scratch_operands = 9 : i64, tpu.core_type = #tpu.core_type<sc_vector_subcore>, window_params = [{transform_indices = #map}, {transform_indices = #map}, {transform_indices = #map}, {transform_indices = #map}, {transform_indices = #map}, {transform_indices = #map}]} {
    %mul3A = arith.constant 2 : i32
    %mul3A_0 = arith.muli %arg1, %mul3A : i32
    %add3A = arith.addi %mul3A_0, %arg0 : i32
    %mul3A_1 = arith.constant 128 : i32
    %mul3A_2 = arith.muli %add3A, %mul3A_1 : i32
    "tpu.region"() ({
      %run_scoped3A = tpu.sem_alloc : memref<!tpu.dma_semaphore, #tpu.memory_space<semaphore_mem>>
      %dma_start3A_294 = tpu.memref_slice %arg5[%mul3A_2] : memref<4096xi32, #tpu.memory_space<hbm>> -> memref<128xi32, #tpu.memory_space<hbm>>
      %dma_start3A_295 = tpu.memref_slice %arg5[%mul3A_2] : memref<4096xi32, #tpu.memory_space<hbm>> -> memref<128xi32, #tpu.memory_space<hbm>>
      tpu.enqueue_dma source(%dma_start3A_295 : memref<128xi32, #tpu.memory_space<hbm>>) target(%arg8 : memref<128xi32, #tpu.memory_space<vmem>>) target_semaphore(%run_scoped3A : memref<!tpu.dma_semaphore, #tpu.memory_space<semaphore_mem>>)
      %dma_wait3A_296 = tpu.memref_slice %arg5[%mul3A_2] : memref<4096xi32, #tpu.memory_space<hbm>> -> memref<128xi32, #tpu.memory_space<hbm>>
      %dma_wait3A_297 = tpu.memref_slice %arg5[%mul3A_2] : memref<4096xi32, #tpu.memory_space<hbm>> -> memref<128xi32, #tpu.memory_space<hbm>>
      tpu.wait_dma2 semaphore(%run_scoped3A : memref<!tpu.dma_semaphore, #tpu.memory_space<semaphore_mem>>) src(%dma_wait3A_297 : memref<128xi32, #tpu.memory_space<hbm>>) dst(%arg8 : memref<128xi32, #tpu.memory_space<vmem>>)
      tpu.yield
    }) : () -> ()
    "tpu.region"() ({
      %run_scoped3A = tpu.sem_alloc : memref<!tpu.dma_semaphore, #tpu.memory_space<semaphore_mem>>
      %dma_start3A_294 = tpu.memref_slice %arg6[%mul3A_2] : memref<4096xi32, #tpu.memory_space<hbm>> -> memref<128xi32, #tpu.memory_space<hbm>>
      %dma_start3A_295 = tpu.memref_slice %arg6[%mul3A_2] : memref<4096xi32, #tpu.memory_space<hbm>> -> memref<128xi32, #tpu.memory_space<hbm>>
      tpu.enqueue_dma source(%dma_start3A_295 : memref<128xi32, #tpu.memory_space<hbm>>) target(%arg9 : memref<128xi32, #tpu.memory_space<vmem>>) target_semaphore(%run_scoped3A : memref<!tpu.dma_semaphore, #tpu.memory_space<semaphore_mem>>)
      %dma_wait3A_296 = tpu.memref_slice %arg6[%mul3A_2] : memref<4096xi32, #tpu.memory_space<hbm>> -> memref<128xi32, #tpu.memory_space<hbm>>
      %dma_wait3A_297 = tpu.memref_slice %arg6[%mul3A_2] : memref<4096xi32, #tpu.memory_space<hbm>> -> memref<128xi32, #tpu.memory_space<hbm>>
      tpu.wait_dma2 semaphore(%run_scoped3A : memref<!tpu.dma_semaphore, #tpu.memory_space<semaphore_mem>>) src(%dma_wait3A_297 : memref<128xi32, #tpu.memory_space<hbm>>) dst(%arg9 : memref<128xi32, #tpu.memory_space<vmem>>)
      tpu.yield
    }) : () -> ()
    %iota3A = tpu.iota {dimensions = array<i32: 0>} : vector<16xi32>
    %add3A_3 = arith.constant 0 : i32
    %add3A_4 = arith.addi %mul3A_2, %add3A_3 : i32
    %add3A_5 = vector.broadcast %add3A_4 : i32 to vector<16xi32>
    %add3A_6 = arith.addi %iota3A, %add3A_5 : vector<16xi32>
    %get3A = arith.constant 0 : index
    %get3A_7 = tpu.vector_load %arg8[%get3A] {strides = array<i32>} : memref<128xi32, #tpu.memory_space<vmem>>, vector<16xi32>,
    %get3A_8 = vector.shape_cast %get3A_7 : vector<16xi32> to vector<16xi32>
    %get3A_9 = arith.constant 0 : index
    %get3A_10 = tpu.vector_load %arg9[%get3A_9] {strides = array<i32>} : memref<128xi32, #tpu.memory_space<vmem>>, vector<16xi32>,
    %get3A_11 = vector.shape_cast %get3A_10 : vector<16xi32> to vector<16xi32>
    %mul3A_12 = arith.constant 4096 : i32
    %mul3A_13 = vector.broadcast %mul3A_12 : i32 to vector<16xi32>
    %mul3A_14 = arith.muli %add3A_6, %mul3A_13 : vector<16xi32>
    %add3A_15 = arith.addi %mul3A_14, %get3A_8 : vector<16xi32>
    %swap3A = arith.constant 0 : index
    %swap3A_16 = tpu.vector_load %arg10[%swap3A] {strides = array<i32>} : memref<128xi32, #tpu.memory_space<vmem>>, vector<16xi32>,
    %swap3A_17 = vector.shape_cast %swap3A_16 : vector<16xi32> to vector<16xi32>
    %swap3A_18 = vector.shape_cast %add3A_15 : vector<16xi32> to vector<16xi32>
    tpu.vector_store %arg10[%swap3A], %swap3A_18 {strides = array<i32>} : memref<128xi32, #tpu.memory_space<vmem>>, vector<16xi32>,
    %mul3A_19 = arith.constant 4096 : i32
    %mul3A_20 = vector.broadcast %mul3A_19 : i32 to vector<16xi32>
    %mul3A_21 = arith.muli %add3A_6, %mul3A_20 : vector<16xi32>
    %add3A_22 = arith.addi %mul3A_21, %get3A_11 : vector<16xi32>
    %swap3A_23 = arith.constant 0 : index
    %swap3A_24 = tpu.vector_load %arg11[%swap3A_23] {strides = array<i32>} : memref<128xi32, #tpu.memory_space<vmem>>, vector<16xi32>,
    %swap3A_25 = vector.shape_cast %swap3A_24 : vector<16xi32> to vector<16xi32>
    %swap3A_26 = vector.shape_cast %add3A_22 : vector<16xi32> to vector<16xi32>
    tpu.vector_store %arg11[%swap3A_23], %swap3A_26 {strides = array<i32>} : memref<128xi32, #tpu.memory_space<vmem>>, vector<16xi32>,
    %mul3A_27 = arith.constant 4096 : i32
    %mul3A_28 = vector.broadcast %mul3A_27 : i32 to vector<16xi32>
    %mul3A_29 = arith.muli %get3A_8, %mul3A_28 : vector<16xi32>
    %add3A_30 = arith.addi %mul3A_29, %get3A_11 : vector<16xi32>
    %swap3A_31 = arith.constant 0 : index
    %swap3A_32 = tpu.vector_load %arg12[%swap3A_31] {strides = array<i32>} : memref<128xi32, #tpu.memory_space<vmem>>, vector<16xi32>,
    %swap3A_33 = vector.shape_cast %swap3A_32 : vector<16xi32> to vector<16xi32>
    %swap3A_34 = vector.shape_cast %add3A_30 : vector<16xi32> to vector<16xi32>
    tpu.vector_store %arg12[%swap3A_31], %swap3A_34 {strides = array<i32>} : memref<128xi32, #tpu.memory_space<vmem>>, vector<16xi32>,
    %iota3A_35 = tpu.iota {dimensions = array<i32: 0>} : vector<16xi32>
    %add3A_36 = arith.constant 16 : i32
    %add3A_37 = arith.addi %mul3A_2, %add3A_36 : i32
    %add3A_38 = vector.broadcast %add3A_37 : i32 to vector<16xi32>
    %add3A_39 = arith.addi %iota3A_35, %add3A_38 : vector<16xi32>
    %get3A_40 = arith.constant 16 : index
    %get3A_41 = tpu.vector_load %arg8[%get3A_40] {strides = array<i32>} : memref<128xi32, #tpu.memory_space<vmem>>, vector<16xi32>,
    %get3A_42 = vector.shape_cast %get3A_41 : vector<16xi32> to vector<16xi32>
    %get3A_43 = arith.constant 16 : index
    %get3A_44 = tpu.vector_load %arg9[%get3A_43] {strides = array<i32>} : memref<128xi32, #tpu.memory_space<vmem>>, vector<16xi32>,
    %get3A_45 = vector.shape_cast %get3A_44 : vector<16xi32> to vector<16xi32>
    %mul3A_46 = arith.constant 4096 : i32
    %mul3A_47 = vector.broadcast %mul3A_46 : i32 to vector<16xi32>
    %mul3A_48 = arith.muli %add3A_39, %mul3A_47 : vector<16xi32>
    %add3A_49 = arith.addi %mul3A_48, %get3A_42 : vector<16xi32>
    %swap3A_50 = arith.constant 16 : index
    %swap3A_51 = tpu.vector_load %arg10[%swap3A_50] {strides = array<i32>} : memref<128xi32, #tpu.memory_space<vmem>>, vector<16xi32>,
    %swap3A_52 = vector.shape_cast %swap3A_51 : vector<16xi32> to vector<16xi32>
    %swap3A_53 = vector.shape_cast %add3A_49 : vector<16xi32> to vector<16xi32>
    tpu.vector_store %arg10[%swap3A_50], %swap3A_53 {strides = array<i32>} : memref<128xi32, #tpu.memory_space<vmem>>, vector<16xi32>,
    %mul3A_54 = arith.constant 4096 : i32
    %mul3A_55 = vector.broadcast %mul3A_54 : i32 to vector<16xi32>
    %mul3A_56 = arith.muli %add3A_39, %mul3A_55 : vector<16xi32>
    %add3A_57 = arith.addi %mul3A_56, %get3A_45 : vector<16xi32>
    %swap3A_58 = arith.constant 16 : index
    %swap3A_59 = tpu.vector_load %arg11[%swap3A_58] {strides = array<i32>} : memref<128xi32, #tpu.memory_space<vmem>>, vector<16xi32>,
    %swap3A_60 = vector.shape_cast %swap3A_59 : vector<16xi32> to vector<16xi32>
    %swap3A_61 = vector.shape_cast %add3A_57 : vector<16xi32> to vector<16xi32>
    tpu.vector_store %arg11[%swap3A_58], %swap3A_61 {strides = array<i32>} : memref<128xi32, #tpu.memory_space<vmem>>, vector<16xi32>,
    %mul3A_62 = arith.constant 4096 : i32
    %mul3A_63 = vector.broadcast %mul3A_62 : i32 to vector<16xi32>
    %mul3A_64 = arith.muli %get3A_42, %mul3A_63 : vector<16xi32>
    %add3A_65 = arith.addi %mul3A_64, %get3A_45 : vector<16xi32>
    %swap3A_66 = arith.constant 16 : index
    %swap3A_67 = tpu.vector_load %arg12[%swap3A_66] {strides = array<i32>} : memref<128xi32, #tpu.memory_space<vmem>>, vector<16xi32>,
    %swap3A_68 = vector.shape_cast %swap3A_67 : vector<16xi32> to vector<16xi32>
    %swap3A_69 = vector.shape_cast %add3A_65 : vector<16xi32> to vector<16xi32>
    tpu.vector_store %arg12[%swap3A_66], %swap3A_69 {strides = array<i32>} : memref<128xi32, #tpu.memory_space<vmem>>, vector<16xi32>,
    %iota3A_70 = tpu.iota {dimensions = array<i32: 0>} : vector<16xi32>
    %add3A_71 = arith.constant 32 : i32
    %add3A_72 = arith.addi %mul3A_2, %add3A_71 : i32
    %add3A_73 = vector.broadcast %add3A_72 : i32 to vector<16xi32>
    %add3A_74 = arith.addi %iota3A_70, %add3A_73 : vector<16xi32>
    %get3A_75 = arith.constant 32 : index
    %get3A_76 = tpu.vector_load %arg8[%get3A_75] {strides = array<i32>} : memref<128xi32, #tpu.memory_space<vmem>>, vector<16xi32>,
    %get3A_77 = vector.shape_cast %get3A_76 : vector<16xi32> to vector<16xi32>
    %get3A_78 = arith.constant 32 : index
    %get3A_79 = tpu.vector_load %arg9[%get3A_78] {strides = array<i32>} : memref<128xi32, #tpu.memory_space<vmem>>, vector<16xi32>,
    %get3A_80 = vector.shape_cast %get3A_79 : vector<16xi32> to vector<16xi32>
    %mul3A_81 = arith.constant 4096 : i32
    %mul3A_82 = vector.broadcast %mul3A_81 : i32 to vector<16xi32>
    %mul3A_83 = arith.muli %add3A_74, %mul3A_82 : vector<16xi32>
    %add3A_84 = arith.addi %mul3A_83, %get3A_77 : vector<16xi32>
    %swap3A_85 = arith.constant 32 : index
    %swap3A_86 = tpu.vector_load %arg10[%swap3A_85] {strides = array<i32>} : memref<128xi32, #tpu.memory_space<vmem>>, vector<16xi32>,
    %swap3A_87 = vector.shape_cast %swap3A_86 : vector<16xi32> to vector<16xi32>
    %swap3A_88 = vector.shape_cast %add3A_84 : vector<16xi32> to vector<16xi32>
    tpu.vector_store %arg10[%swap3A_85], %swap3A_88 {strides = array<i32>} : memref<128xi32, #tpu.memory_space<vmem>>, vector<16xi32>,
    %mul3A_89 = arith.constant 4096 : i32
    %mul3A_90 = vector.broadcast %mul3A_89 : i32 to vector<16xi32>
    %mul3A_91 = arith.muli %add3A_74, %mul3A_90 : vector<16xi32>
    %add3A_92 = arith.addi %mul3A_91, %get3A_80 : vector<16xi32>
    %swap3A_93 = arith.constant 32 : index
    %swap3A_94 = tpu.vector_load %arg11[%swap3A_93] {strides = array<i32>} : memref<128xi32, #tpu.memory_space<vmem>>, vector<16xi32>,
    %swap3A_95 = vector.shape_cast %swap3A_94 : vector<16xi32> to vector<16xi32>
    %swap3A_96 = vector.shape_cast %add3A_92 : vector<16xi32> to vector<16xi32>
    tpu.vector_store %arg11[%swap3A_93], %swap3A_96 {strides = array<i32>} : memref<128xi32, #tpu.memory_space<vmem>>, vector<16xi32>,
    %mul3A_97 = arith.constant 4096 : i32
    %mul3A_98 = vector.broadcast %mul3A_97 : i32 to vector<16xi32>
    %mul3A_99 = arith.muli %get3A_77, %mul3A_98 : vector<16xi32>
    %add3A_100 = arith.addi %mul3A_99, %get3A_80 : vector<16xi32>
    %swap3A_101 = arith.constant 32 : index
    %swap3A_102 = tpu.vector_load %arg12[%swap3A_101] {strides = array<i32>} : memref<128xi32, #tpu.memory_space<vmem>>, vector<16xi32>,
    %swap3A_103 = vector.shape_cast %swap3A_102 : vector<16xi32> to vector<16xi32>
    %swap3A_104 = vector.shape_cast %add3A_100 : vector<16xi32> to vector<16xi32>
    tpu.vector_store %arg12[%swap3A_101], %swap3A_104 {strides = array<i32>} : memref<128xi32, #tpu.memory_space<vmem>>, vector<16xi32>,
    %iota3A_105 = tpu.iota {dimensions = array<i32: 0>} : vector<16xi32>
    %add3A_106 = arith.constant 48 : i32
    %add3A_107 = arith.addi %mul3A_2, %add3A_106 : i32
    %add3A_108 = vector.broadcast %add3A_107 : i32 to vector<16xi32>
    %add3A_109 = arith.addi %iota3A_105, %add3A_108 : vector<16xi32>
    %get3A_110 = arith.constant 48 : index
    %get3A_111 = tpu.vector_load %arg8[%get3A_110] {strides = array<i32>} : memref<128xi32, #tpu.memory_space<vmem>>, vector<16xi32>,
    %get3A_112 = vector.shape_cast %get3A_111 : vector<16xi32> to vector<16xi32>
    %get3A_113 = arith.constant 48 : index
    %get3A_114 = tpu.vector_load %arg9[%get3A_113] {strides = array<i32>} : memref<128xi32, #tpu.memory_space<vmem>>, vector<16xi32>,
    %get3A_115 = vector.shape_cast %get3A_114 : vector<16xi32> to vector<16xi32>
    %mul3A_116 = arith.constant 4096 : i32
    %mul3A_117 = vector.broadcast %mul3A_116 : i32 to vector<16xi32>
    %mul3A_118 = arith.muli %add3A_109, %mul3A_117 : vector<16xi32>
    %add3A_119 = arith.addi %mul3A_118, %get3A_112 : vector<16xi32>
    %swap3A_120 = arith.constant 48 : index
    %swap3A_121 = tpu.vector_load %arg10[%swap3A_120] {strides = array<i32>} : memref<128xi32, #tpu.memory_space<vmem>>, vector<16xi32>,
    %swap3A_122 = vector.shape_cast %swap3A_121 : vector<16xi32> to vector<16xi32>
    %swap3A_123 = vector.shape_cast %add3A_119 : vector<16xi32> to vector<16xi32>
    tpu.vector_store %arg10[%swap3A_120], %swap3A_123 {strides = array<i32>} : memref<128xi32, #tpu.memory_space<vmem>>, vector<16xi32>,
    %mul3A_124 = arith.constant 4096 : i32
    %mul3A_125 = vector.broadcast %mul3A_124 : i32 to vector<16xi32>
    %mul3A_126 = arith.muli %add3A_109, %mul3A_125 : vector<16xi32>
    %add3A_127 = arith.addi %mul3A_126, %get3A_115 : vector<16xi32>
    %swap3A_128 = arith.constant 48 : index
    %swap3A_129 = tpu.vector_load %arg11[%swap3A_128] {strides = array<i32>} : memref<128xi32, #tpu.memory_space<vmem>>, vector<16xi32>,
    %swap3A_130 = vector.shape_cast %swap3A_129 : vector<16xi32> to vector<16xi32>
    %swap3A_131 = vector.shape_cast %add3A_127 : vector<16xi32> to vector<16xi32>
    tpu.vector_store %arg11[%swap3A_128], %swap3A_131 {strides = array<i32>} : memref<128xi32, #tpu.memory_space<vmem>>, vector<16xi32>,
    %mul3A_132 = arith.constant 4096 : i32
    %mul3A_133 = vector.broadcast %mul3A_132 : i32 to vector<16xi32>
    %mul3A_134 = arith.muli %get3A_112, %mul3A_133 : vector<16xi32>
    %add3A_135 = arith.addi %mul3A_134, %get3A_115 : vector<16xi32>
    %swap3A_136 = arith.constant 48 : index
    %swap3A_137 = tpu.vector_load %arg12[%swap3A_136] {strides = array<i32>} : memref<128xi32, #tpu.memory_space<vmem>>, vector<16xi32>,
    %swap3A_138 = vector.shape_cast %swap3A_137 : vector<16xi32> to vector<16xi32>
    %swap3A_139 = vector.shape_cast %add3A_135 : vector<16xi32> to vector<16xi32>
    tpu.vector_store %arg12[%swap3A_136], %swap3A_139 {strides = array<i32>} : memref<128xi32, #tpu.memory_space<vmem>>, vector<16xi32>,
    %iota3A_140 = tpu.iota {dimensions = array<i32: 0>} : vector<16xi32>
    %add3A_141 = arith.constant 64 : i32
    %add3A_142 = arith.addi %mul3A_2, %add3A_141 : i32
    %add3A_143 = vector.broadcast %add3A_142 : i32 to vector<16xi32>
    %add3A_144 = arith.addi %iota3A_140, %add3A_143 : vector<16xi32>
    %get3A_145 = arith.constant 64 : index
    %get3A_146 = tpu.vector_load %arg8[%get3A_145] {strides = array<i32>} : memref<128xi32, #tpu.memory_space<vmem>>, vector<16xi32>,
    %get3A_147 = vector.shape_cast %get3A_146 : vector<16xi32> to vector<16xi32>
    %get3A_148 = arith.constant 64 : index
    %get3A_149 = tpu.vector_load %arg9[%get3A_148] {strides = array<i32>} : memref<128xi32, #tpu.memory_space<vmem>>, vector<16xi32>,
    %get3A_150 = vector.shape_cast %get3A_149 : vector<16xi32> to vector<16xi32>
    %mul3A_151 = arith.constant 4096 : i32
    %mul3A_152 = vector.broadcast %mul3A_151 : i32 to vector<16xi32>
    %mul3A_153 = arith.muli %add3A_144, %mul3A_152 : vector<16xi32>
    %add3A_154 = arith.addi %mul3A_153, %get3A_147 : vector<16xi32>
    %swap3A_155 = arith.constant 64 : index
    %swap3A_156 = tpu.vector_load %arg10[%swap3A_155] {strides = array<i32>} : memref<128xi32, #tpu.memory_space<vmem>>, vector<16xi32>,
    %swap3A_157 = vector.shape_cast %swap3A_156 : vector<16xi32> to vector<16xi32>
    %swap3A_158 = vector.shape_cast %add3A_154 : vector<16xi32> to vector<16xi32>
    tpu.vector_store %arg10[%swap3A_155], %swap3A_158 {strides = array<i32>} : memref<128xi32, #tpu.memory_space<vmem>>, vector<16xi32>,
    %mul3A_159 = arith.constant 4096 : i32
    %mul3A_160 = vector.broadcast %mul3A_159 : i32 to vector<16xi32>
    %mul3A_161 = arith.muli %add3A_144, %mul3A_160 : vector<16xi32>
    %add3A_162 = arith.addi %mul3A_161, %get3A_150 : vector<16xi32>
    %swap3A_163 = arith.constant 64 : index
    %swap3A_164 = tpu.vector_load %arg11[%swap3A_163] {strides = array<i32>} : memref<128xi32, #tpu.memory_space<vmem>>, vector<16xi32>,
    %swap3A_165 = vector.shape_cast %swap3A_164 : vector<16xi32> to vector<16xi32>
    %swap3A_166 = vector.shape_cast %add3A_162 : vector<16xi32> to vector<16xi32>
    tpu.vector_store %arg11[%swap3A_163], %swap3A_166 {strides = array<i32>} : memref<128xi32, #tpu.memory_space<vmem>>, vector<16xi32>,
    %mul3A_167 = arith.constant 4096 : i32
    %mul3A_168 = vector.broadcast %mul3A_167 : i32 to vector<16xi32>
    %mul3A_169 = arith.muli %get3A_147, %mul3A_168 : vector<16xi32>
    %add3A_170 = arith.addi %mul3A_169, %get3A_150 : vector<16xi32>
    %swap3A_171 = arith.constant 64 : index
    %swap3A_172 = tpu.vector_load %arg12[%swap3A_171] {strides = array<i32>} : memref<128xi32, #tpu.memory_space<vmem>>, vector<16xi32>,
    %swap3A_173 = vector.shape_cast %swap3A_172 : vector<16xi32> to vector<16xi32>
    %swap3A_174 = vector.shape_cast %add3A_170 : vector<16xi32> to vector<16xi32>
    tpu.vector_store %arg12[%swap3A_171], %swap3A_174 {strides = array<i32>} : memref<128xi32, #tpu.memory_space<vmem>>, vector<16xi32>,
    %iota3A_175 = tpu.iota {dimensions = array<i32: 0>} : vector<16xi32>
    %add3A_176 = arith.constant 80 : i32
    %add3A_177 = arith.addi %mul3A_2, %add3A_176 : i32
    %add3A_178 = vector.broadcast %add3A_177 : i32 to vector<16xi32>
    %add3A_179 = arith.addi %iota3A_175, %add3A_178 : vector<16xi32>
    %get3A_180 = arith.constant 80 : index
    %get3A_181 = tpu.vector_load %arg8[%get3A_180] {strides = array<i32>} : memref<128xi32, #tpu.memory_space<vmem>>, vector<16xi32>,
    %get3A_182 = vector.shape_cast %get3A_181 : vector<16xi32> to vector<16xi32>
    %get3A_183 = arith.constant 80 : index
    %get3A_184 = tpu.vector_load %arg9[%get3A_183] {strides = array<i32>} : memref<128xi32, #tpu.memory_space<vmem>>, vector<16xi32>,
    %get3A_185 = vector.shape_cast %get3A_184 : vector<16xi32> to vector<16xi32>
    %mul3A_186 = arith.constant 4096 : i32
    %mul3A_187 = vector.broadcast %mul3A_186 : i32 to vector<16xi32>
    %mul3A_188 = arith.muli %add3A_179, %mul3A_187 : vector<16xi32>
    %add3A_189 = arith.addi %mul3A_188, %get3A_182 : vector<16xi32>
    %swap3A_190 = arith.constant 80 : index
    %swap3A_191 = tpu.vector_load %arg10[%swap3A_190] {strides = array<i32>} : memref<128xi32, #tpu.memory_space<vmem>>, vector<16xi32>,
    %swap3A_192 = vector.shape_cast %swap3A_191 : vector<16xi32> to vector<16xi32>
    %swap3A_193 = vector.shape_cast %add3A_189 : vector<16xi32> to vector<16xi32>
    tpu.vector_store %arg10[%swap3A_190], %swap3A_193 {strides = array<i32>} : memref<128xi32, #tpu.memory_space<vmem>>, vector<16xi32>,
    %mul3A_194 = arith.constant 4096 : i32
    %mul3A_195 = vector.broadcast %mul3A_194 : i32 to vector<16xi32>
    %mul3A_196 = arith.muli %add3A_179, %mul3A_195 : vector<16xi32>
    %add3A_197 = arith.addi %mul3A_196, %get3A_185 : vector<16xi32>
    %swap3A_198 = arith.constant 80 : index
    %swap3A_199 = tpu.vector_load %arg11[%swap3A_198] {strides = array<i32>} : memref<128xi32, #tpu.memory_space<vmem>>, vector<16xi32>,
    %swap3A_200 = vector.shape_cast %swap3A_199 : vector<16xi32> to vector<16xi32>
    %swap3A_201 = vector.shape_cast %add3A_197 : vector<16xi32> to vector<16xi32>
    tpu.vector_store %arg11[%swap3A_198], %swap3A_201 {strides = array<i32>} : memref<128xi32, #tpu.memory_space<vmem>>, vector<16xi32>,
    %mul3A_202 = arith.constant 4096 : i32
    %mul3A_203 = vector.broadcast %mul3A_202 : i32 to vector<16xi32>
    %mul3A_204 = arith.muli %get3A_182, %mul3A_203 : vector<16xi32>
    %add3A_205 = arith.addi %mul3A_204, %get3A_185 : vector<16xi32>
    %swap3A_206 = arith.constant 80 : index
    %swap3A_207 = tpu.vector_load %arg12[%swap3A_206] {strides = array<i32>} : memref<128xi32, #tpu.memory_space<vmem>>, vector<16xi32>,
    %swap3A_208 = vector.shape_cast %swap3A_207 : vector<16xi32> to vector<16xi32>
    %swap3A_209 = vector.shape_cast %add3A_205 : vector<16xi32> to vector<16xi32>
    tpu.vector_store %arg12[%swap3A_206], %swap3A_209 {strides = array<i32>} : memref<128xi32, #tpu.memory_space<vmem>>, vector<16xi32>,
    %iota3A_210 = tpu.iota {dimensions = array<i32: 0>} : vector<16xi32>
    %add3A_211 = arith.constant 96 : i32
    %add3A_212 = arith.addi %mul3A_2, %add3A_211 : i32
    %add3A_213 = vector.broadcast %add3A_212 : i32 to vector<16xi32>
    %add3A_214 = arith.addi %iota3A_210, %add3A_213 : vector<16xi32>
    %get3A_215 = arith.constant 96 : index
    %get3A_216 = tpu.vector_load %arg8[%get3A_215] {strides = array<i32>} : memref<128xi32, #tpu.memory_space<vmem>>, vector<16xi32>,
    %get3A_217 = vector.shape_cast %get3A_216 : vector<16xi32> to vector<16xi32>
    %get3A_218 = arith.constant 96 : index
    %get3A_219 = tpu.vector_load %arg9[%get3A_218] {strides = array<i32>} : memref<128xi32, #tpu.memory_space<vmem>>, vector<16xi32>,
    %get3A_220 = vector.shape_cast %get3A_219 : vector<16xi32> to vector<16xi32>
    %mul3A_221 = arith.constant 4096 : i32
    %mul3A_222 = vector.broadcast %mul3A_221 : i32 to vector<16xi32>
    %mul3A_223 = arith.muli %add3A_214, %mul3A_222 : vector<16xi32>
    %add3A_224 = arith.addi %mul3A_223, %get3A_217 : vector<16xi32>
    %swap3A_225 = arith.constant 96 : index
    %swap3A_226 = tpu.vector_load %arg10[%swap3A_225] {strides = array<i32>} : memref<128xi32, #tpu.memory_space<vmem>>, vector<16xi32>,
    %swap3A_227 = vector.shape_cast %swap3A_226 : vector<16xi32> to vector<16xi32>
    %swap3A_228 = vector.shape_cast %add3A_224 : vector<16xi32> to vector<16xi32>
    tpu.vector_store %arg10[%swap3A_225], %swap3A_228 {strides = array<i32>} : memref<128xi32, #tpu.memory_space<vmem>>, vector<16xi32>,
    %mul3A_229 = arith.constant 4096 : i32
    %mul3A_230 = vector.broadcast %mul3A_229 : i32 to vector<16xi32>
    %mul3A_231 = arith.muli %add3A_214, %mul3A_230 : vector<16xi32>
    %add3A_232 = arith.addi %mul3A_231, %get3A_220 : vector<16xi32>
    %swap3A_233 = arith.constant 96 : index
    %swap3A_234 = tpu.vector_load %arg11[%swap3A_233] {strides = array<i32>} : memref<128xi32, #tpu.memory_space<vmem>>, vector<16xi32>,
    %swap3A_235 = vector.shape_cast %swap3A_234 : vector<16xi32> to vector<16xi32>
    %swap3A_236 = vector.shape_cast %add3A_232 : vector<16xi32> to vector<16xi32>
    tpu.vector_store %arg11[%swap3A_233], %swap3A_236 {strides = array<i32>} : memref<128xi32, #tpu.memory_space<vmem>>, vector<16xi32>,
    %mul3A_237 = arith.constant 4096 : i32
    %mul3A_238 = vector.broadcast %mul3A_237 : i32 to vector<16xi32>
    %mul3A_239 = arith.muli %get3A_217, %mul3A_238 : vector<16xi32>
    %add3A_240 = arith.addi %mul3A_239, %get3A_220 : vector<16xi32>
    %swap3A_241 = arith.constant 96 : index
    %swap3A_242 = tpu.vector_load %arg12[%swap3A_241] {strides = array<i32>} : memref<128xi32, #tpu.memory_space<vmem>>, vector<16xi32>,
    %swap3A_243 = vector.shape_cast %swap3A_242 : vector<16xi32> to vector<16xi32>
    %swap3A_244 = vector.shape_cast %add3A_240 : vector<16xi32> to vector<16xi32>
    tpu.vector_store %arg12[%swap3A_241], %swap3A_244 {strides = array<i32>} : memref<128xi32, #tpu.memory_space<vmem>>, vector<16xi32>,
    %iota3A_245 = tpu.iota {dimensions = array<i32: 0>} : vector<16xi32>
    %add3A_246 = arith.constant 112 : i32
    %add3A_247 = arith.addi %mul3A_2, %add3A_246 : i32
    %add3A_248 = vector.broadcast %add3A_247 : i32 to vector<16xi32>
    %add3A_249 = arith.addi %iota3A_245, %add3A_248 : vector<16xi32>
    %get3A_250 = arith.constant 112 : index
    %get3A_251 = tpu.vector_load %arg8[%get3A_250] {strides = array<i32>} : memref<128xi32, #tpu.memory_space<vmem>>, vector<16xi32>,
    %get3A_252 = vector.shape_cast %get3A_251 : vector<16xi32> to vector<16xi32>
    %get3A_253 = arith.constant 112 : index
    %get3A_254 = tpu.vector_load %arg9[%get3A_253] {strides = array<i32>} : memref<128xi32, #tpu.memory_space<vmem>>, vector<16xi32>,
    %get3A_255 = vector.shape_cast %get3A_254 : vector<16xi32> to vector<16xi32>
    %mul3A_256 = arith.constant 4096 : i32
    %mul3A_257 = vector.broadcast %mul3A_256 : i32 to vector<16xi32>
    %mul3A_258 = arith.muli %add3A_249, %mul3A_257 : vector<16xi32>
    %add3A_259 = arith.addi %mul3A_258, %get3A_252 : vector<16xi32>
    %swap3A_260 = arith.constant 112 : index
    %swap3A_261 = tpu.vector_load %arg10[%swap3A_260] {strides = array<i32>} : memref<128xi32, #tpu.memory_space<vmem>>, vector<16xi32>,
    %swap3A_262 = vector.shape_cast %swap3A_261 : vector<16xi32> to vector<16xi32>
    %swap3A_263 = vector.shape_cast %add3A_259 : vector<16xi32> to vector<16xi32>
    tpu.vector_store %arg10[%swap3A_260], %swap3A_263 {strides = array<i32>} : memref<128xi32, #tpu.memory_space<vmem>>, vector<16xi32>,
    %mul3A_264 = arith.constant 4096 : i32
    %mul3A_265 = vector.broadcast %mul3A_264 : i32 to vector<16xi32>
    %mul3A_266 = arith.muli %add3A_249, %mul3A_265 : vector<16xi32>
    %add3A_267 = arith.addi %mul3A_266, %get3A_255 : vector<16xi32>
    %swap3A_268 = arith.constant 112 : index
    %swap3A_269 = tpu.vector_load %arg11[%swap3A_268] {strides = array<i32>} : memref<128xi32, #tpu.memory_space<vmem>>, vector<16xi32>,
    %swap3A_270 = vector.shape_cast %swap3A_269 : vector<16xi32> to vector<16xi32>
    %swap3A_271 = vector.shape_cast %add3A_267 : vector<16xi32> to vector<16xi32>
    tpu.vector_store %arg11[%swap3A_268], %swap3A_271 {strides = array<i32>} : memref<128xi32, #tpu.memory_space<vmem>>, vector<16xi32>,
    %mul3A_272 = arith.constant 4096 : i32
    %mul3A_273 = vector.broadcast %mul3A_272 : i32 to vector<16xi32>
    %mul3A_274 = arith.muli %get3A_252, %mul3A_273 : vector<16xi32>
    %add3A_275 = arith.addi %mul3A_274, %get3A_255 : vector<16xi32>
    %swap3A_276 = arith.constant 112 : index
    %swap3A_277 = tpu.vector_load %arg12[%swap3A_276] {strides = array<i32>} : memref<128xi32, #tpu.memory_space<vmem>>, vector<16xi32>,
    %swap3A_278 = vector.shape_cast %swap3A_277 : vector<16xi32> to vector<16xi32>
    %swap3A_279 = vector.shape_cast %add3A_275 : vector<16xi32> to vector<16xi32>
    tpu.vector_store %arg12[%swap3A_276], %swap3A_279 {strides = array<i32>} : memref<128xi32, #tpu.memory_space<vmem>>, vector<16xi32>,
    %dma_start3A = arith.constant 0 : i32
    %dma_start3A_280 = tpu.memref_slice %arg2[%dma_start3A] : memref<16777216xf32, #tpu.memory_space<hbm>> -> memref<16777216xf32, #tpu.memory_space<hbm>>
    tpu.enqueue_indirect_dma source(%dma_start3A_280 : memref<16777216xf32, #tpu.memory_space<hbm>>) target(%arg13 : memref<128xf32, #tpu.memory_space<vmem>>) offsets(%arg10 : memref<128xi32, #tpu.memory_space<vmem>>) semaphore(%arg16 : memref<!tpu.dma_semaphore, #tpu.memory_space<semaphore_mem>>)
    %dma_start3A_281 = arith.constant 0 : i32
    %dma_start3A_282 = tpu.memref_slice %arg3[%dma_start3A_281] : memref<16777216xf32, #tpu.memory_space<hbm>> -> memref<16777216xf32, #tpu.memory_space<hbm>>
    tpu.enqueue_indirect_dma source(%dma_start3A_282 : memref<16777216xf32, #tpu.memory_space<hbm>>) target(%arg14 : memref<128xf32, #tpu.memory_space<vmem>>) offsets(%arg11 : memref<128xi32, #tpu.memory_space<vmem>>) semaphore(%arg16 : memref<!tpu.dma_semaphore, #tpu.memory_space<semaphore_mem>>)
    %dma_start3A_283 = arith.constant 0 : i32
    %dma_start3A_284 = tpu.memref_slice %arg4[%dma_start3A_283] : memref<16777216xf32, #tpu.memory_space<hbm>> -> memref<16777216xf32, #tpu.memory_space<hbm>>
    tpu.enqueue_indirect_dma source(%dma_start3A_284 : memref<16777216xf32, #tpu.memory_space<hbm>>) target(%arg15 : memref<128xf32, #tpu.memory_space<vmem>>) offsets(%arg12 : memref<128xi32, #tpu.memory_space<vmem>>) semaphore(%arg16 : memref<!tpu.dma_semaphore, #tpu.memory_space<semaphore_mem>>)
    %dma_wait3A = arith.constant 0 : i32
    %dma_wait3A_285 = tpu.memref_slice %arg2[%dma_wait3A] : memref<16777216xf32, #tpu.memory_space<hbm>> -> memref<16777216xf32, #tpu.memory_space<hbm>>
    tpu.wait_indirect_dma semaphore(%arg16 : memref<!tpu.dma_semaphore, #tpu.memory_space<semaphore_mem>>) src(%dma_wait3A_285 : memref<16777216xf32, #tpu.memory_space<hbm>>) dst(%arg13 : memref<128xf32, #tpu.memory_space<vmem>>)
    %dma_wait3A_286 = arith.constant 0 : i32
    %dma_wait3A_287 = tpu.memref_slice %arg3[%dma_wait3A_286] : memref<16777216xf32, #tpu.memory_space<hbm>> -> memref<16777216xf32, #tpu.memory_space<hbm>>
    tpu.wait_indirect_dma semaphore(%arg16 : memref<!tpu.dma_semaphore, #tpu.memory_space<semaphore_mem>>) src(%dma_wait3A_287 : memref<16777216xf32, #tpu.memory_space<hbm>>) dst(%arg14 : memref<128xf32, #tpu.memory_space<vmem>>)
    %dma_wait3A_288 = arith.constant 0 : i32
    %dma_wait3A_289 = tpu.memref_slice %arg4[%dma_wait3A_288] : memref<16777216xf32, #tpu.memory_space<hbm>> -> memref<16777216xf32, #tpu.memory_space<hbm>>
    tpu.wait_indirect_dma semaphore(%arg16 : memref<!tpu.dma_semaphore, #tpu.memory_space<semaphore_mem>>) src(%dma_wait3A_289 : memref<16777216xf32, #tpu.memory_space<hbm>>) dst(%arg15 : memref<128xf32, #tpu.memory_space<vmem>>)
    "tpu.region"() ({
      %run_scoped3A = tpu.sem_alloc : memref<!tpu.dma_semaphore, #tpu.memory_space<semaphore_mem>>
      %dma_start3A_294 = tpu.memref_slice %arg7[%mul3A_2] : memref<12288xf32, #tpu.memory_space<hbm>> -> memref<128xf32, #tpu.memory_space<hbm>>
      %dma_start3A_295 = tpu.memref_slice %arg7[%mul3A_2] : memref<12288xf32, #tpu.memory_space<hbm>> -> memref<128xf32, #tpu.memory_space<hbm>>
      tpu.enqueue_dma source(%arg13 : memref<128xf32, #tpu.memory_space<vmem>>) target(%dma_start3A_295 : memref<128xf32, #tpu.memory_space<hbm>>) target_semaphore(%run_scoped3A : memref<!tpu.dma_semaphore, #tpu.memory_space<semaphore_mem>>)
      %dma_wait3A_296 = tpu.memref_slice %arg7[%mul3A_2] : memref<12288xf32, #tpu.memory_space<hbm>> -> memref<128xf32, #tpu.memory_space<hbm>>
      %dma_wait3A_297 = tpu.memref_slice %arg7[%mul3A_2] : memref<12288xf32, #tpu.memory_space<hbm>> -> memref<128xf32, #tpu.memory_space<hbm>>
      tpu.wait_dma2 semaphore(%run_scoped3A : memref<!tpu.dma_semaphore, #tpu.memory_space<semaphore_mem>>) src(%arg13 : memref<128xf32, #tpu.memory_space<vmem>>) dst(%dma_wait3A_297 : memref<128xf32, #tpu.memory_space<hbm>>)
      tpu.yield
    }) : () -> ()
    %add3A_290 = arith.constant 4096 : i32
    %add3A_291 = arith.addi %add3A_290, %mul3A_2 : i32
    "tpu.region"() ({
      %run_scoped3A = tpu.sem_alloc : memref<!tpu.dma_semaphore, #tpu.memory_space<semaphore_mem>>
      %dma_start3A_294 = tpu.memref_slice %arg7[%add3A_291] : memref<12288xf32, #tpu.memory_space<hbm>> -> memref<128xf32, #tpu.memory_space<hbm>>
      %dma_start3A_295 = tpu.memref_slice %arg7[%add3A_291] : memref<12288xf32, #tpu.memory_space<hbm>> -> memref<128xf32, #tpu.memory_space<hbm>>
      tpu.enqueue_dma source(%arg14 : memref<128xf32, #tpu.memory_space<vmem>>) target(%dma_start3A_295 : memref<128xf32, #tpu.memory_space<hbm>>) target_semaphore(%run_scoped3A : memref<!tpu.dma_semaphore, #tpu.memory_space<semaphore_mem>>)
      %dma_wait3A_296 = tpu.memref_slice %arg7[%add3A_291] : memref<12288xf32, #tpu.memory_space<hbm>> -> memref<128xf32, #tpu.memory_space<hbm>>
      %dma_wait3A_297 = tpu.memref_slice %arg7[%add3A_291] : memref<12288xf32, #tpu.memory_space<hbm>> -> memref<128xf32, #tpu.memory_space<hbm>>
      tpu.wait_dma2 semaphore(%run_scoped3A : memref<!tpu.dma_semaphore, #tpu.memory_space<semaphore_mem>>) src(%arg14 : memref<128xf32, #tpu.memory_space<vmem>>) dst(%dma_wait3A_297 : memref<128xf32, #tpu.memory_space<hbm>>)
      tpu.yield
    }) : () -> ()
    %add3A_292 = arith.constant 8192 : i32
    %add3A_293 = arith.addi %add3A_292, %mul3A_2 : i32
    "tpu.region"() ({
      %run_scoped3A = tpu.sem_alloc : memref<!tpu.dma_semaphore, #tpu.memory_space<semaphore_mem>>
      %dma_start3A_294 = tpu.memref_slice %arg7[%add3A_293] : memref<12288xf32, #tpu.memory_space<hbm>> -> memref<128xf32, #tpu.memory_space<hbm>>
      %dma_start3A_295 = tpu.memref_slice %arg7[%add3A_293] : memref<12288xf32, #tpu.memory_space<hbm>> -> memref<128xf32, #tpu.memory_space<hbm>>
      tpu.enqueue_dma source(%arg15 : memref<128xf32, #tpu.memory_space<vmem>>) target(%dma_start3A_295 : memref<128xf32, #tpu.memory_space<hbm>>) target_semaphore(%run_scoped3A : memref<!tpu.dma_semaphore, #tpu.memory_space<semaphore_mem>>)
      %dma_wait3A_296 = tpu.memref_slice %arg7[%add3A_293] : memref<12288xf32, #tpu.memory_space<hbm>> -> memref<128xf32, #tpu.memory_space<hbm>>
      %dma_wait3A_297 = tpu.memref_slice %arg7[%add3A_293] : memref<12288xf32, #tpu.memory_space<hbm>> -> memref<128xf32, #tpu.memory_space<hbm>>
      tpu.wait_dma2 semaphore(%run_scoped3A : memref<!tpu.dma_semaphore, #tpu.memory_space<semaphore_mem>>) src(%arg15 : memref<128xf32, #tpu.memory_space<vmem>>) dst(%dma_wait3A_297 : memref<128xf32, #tpu.memory_space<hbm>>)
      tpu.yield
    }) : () -> ()
    return
  }
}

module attributes {stable_mosaic.version = 14 : i64} {
  func.func @_tc_reduce_body(%arg0: memref<12288xf32, #tpu.memory_space<vmem>>, %arg1: memref<1x1xf32, #tpu.memory_space<smem>>) attributes {dimension_semantics = [], scalar_prefetch = 0 : i64, scratch_operands = 0 : i64, tpu.core_type = #tpu.core_type<tc>} {
    %get3A = arith.constant 0 : index
    %get3A_0 = vector.load %arg0[%get3A] : memref<12288xf32, #tpu.memory_space<vmem>>, vector<4096xf32>
    %get3A_1 = arith.constant 4096 : index
    %get3A_2 = vector.load %arg0[%get3A_1] : memref<12288xf32, #tpu.memory_space<vmem>>, vector<4096xf32>
    %get3A_3 = arith.constant 8192 : index
    %get3A_4 = vector.load %arg0[%get3A_3] : memref<12288xf32, #tpu.memory_space<vmem>>, vector<4096xf32>
    %jit3A = arith.constant 0.000000e+00 : f32
    %jit3A_5 = arith.constant 1.000000e+00 : f32
    %max3A = vector.broadcast %jit3A : f32 to vector<4096xf32>
    %max3A_6 = arith.maximumf %max3A, %get3A_4 : vector<4096xf32>
    %min3A = vector.broadcast %jit3A_5 : f32 to vector<4096xf32>
    %min3A_7 = arith.minimumf %min3A, %max3A_6 : vector<4096xf32>
    %mul3A = arith.mulf %get3A_0, %min3A_7 : vector<4096xf32>
    %log3A = math.log %mul3A : vector<4096xf32>
    %reduce_sum3A = vector.shape_cast %log3A : vector<4096xf32> to vector<1x4096xf32>
    %reduce_sum3A_8 = arith.constant dense<0.000000e+00> : vector<1xf32>
    %reduce_sum3A_9 = vector.multi_reduction <add>, %reduce_sum3A, %reduce_sum3A_8 [1] : vector<1x4096xf32> to vector<1xf32>
    %reduce_sum3A_10 = vector.shape_cast %reduce_sum3A_9 : vector<1xf32> to vector<1x1xf32>
    %reduce_sum3A_11 = vector.extract %reduce_sum3A_10[0, 0] : f32 from vector<1x1xf32>
    %mul3A_12 = arith.mulf %get3A_2, %min3A_7 : vector<4096xf32>
    %log3A_13 = math.log %mul3A_12 : vector<4096xf32>
    %reduce_sum3A_14 = vector.shape_cast %log3A_13 : vector<4096xf32> to vector<1x4096xf32>
    %reduce_sum3A_15 = arith.constant dense<0.000000e+00> : vector<1xf32>
    %reduce_sum3A_16 = vector.multi_reduction <add>, %reduce_sum3A_14, %reduce_sum3A_15 [1] : vector<1x4096xf32> to vector<1xf32>
    %reduce_sum3A_17 = vector.shape_cast %reduce_sum3A_16 : vector<1xf32> to vector<1x1xf32>
    %reduce_sum3A_18 = vector.extract %reduce_sum3A_17[0, 0] : f32 from vector<1x1xf32>
    %add3A = arith.addf %reduce_sum3A_11, %reduce_sum3A_18 : f32
    %neg3A = arith.constant 0.000000e+00 : f32
    %neg3A_19 = arith.subf %neg3A, %add3A : f32
    %div3A = arith.constant 4.096000e+03 : f32
    %div3A_20 = arith.divf %neg3A_19, %div3A : f32
    %swap3A = arith.constant 0 : index
    %swap3A_21 = arith.constant 0 : index
    %swap3A_22 = memref.load %arg1[%swap3A, %swap3A_21] : memref<1x1xf32, #tpu.memory_space<smem>>
    memref.store %div3A_20, %arg1[%swap3A, %swap3A_21] : memref<1x1xf32, #tpu.memory_space<smem>>
    return
  }
}

</mosaic_0001>

<sc_bundles>
// kernel: kernel.4.cloned.1.call-start
scs
__scs_entry_jumppad:
0x0: {  	(pc) =	sbr.rel $0x88, $3  }
0x1: {  	(tag) =	ssettag $0x0;
	lr =	simm.s32 $0x1  }
0x2: {  	[smem:$0x3F9C] =	sst lr;
	_ =	strace $0xD0000000  }
0x3: {  	_ = 	snop  }
0x4: {  	_ = 	snop  }
0x5: {  	_ = 	snop  }
0x6: {  	_ = 	snop  }
0x7: {  	_ = 	snop  }
__scs_overlays_trampoline_lowered:
0x8: {  	[smem:$0x3FAB] =	sst s0  }
0x9: {  	[smem:$0x3FAC] =	sst s1  }
0xa: {  	[smem:$0x3FAD] =	sst s2  }
0xb: {  	[smem:$0x3FAE] =	sst s3  }
0xc: {  	[smem:$0x3FAF] =	sst s4  }
0xd: {  	[smem:$0x3FB0] =	sst s5  }
0xe: {  	[smem:$0x3FB1] =	sst s6  }
0xf: {  	[smem:$0x3FB2] =	sst s7  }
0x10: {  	[smem:$0x3FB3] =	sst s8  }
0x11: {  	[smem:$0x3FB4] =	sst s9;
	s0 =	simm.s32 @!p0 $0x0  }
0x12: {  	s1 =	sld [smem:$0x3F9A];
	s0 =	simm.s32 @p0 $0x1  }
0x13: {  	[smem:$0x3FB5] =	sst s0;
	s0 =	simm.s32 @!p1 $0x0  }
0x14: {  	s2 =	sld [smem:$0x3F99];
	s0 =	simm.s32 @p1 $0x1  }
0x15: {  	[smem:$0x3FB6] =	sst s0;
	s0 =	simm.s32 @!p2 $0x0  }
0x16: {  	s3 =	sld [smem:$0x3FDB];
	s0 =	simm.s32 @p2 $0x1  }
0x17: {  	s4 =	simm.s32 $0x1BF5;
	[smem:$0x3FB8] =	sst s0  }
0x18: {  	s0 =	sld [smem:$0x3F9B];
	_ =	swait.ge [sflag:s4], $0x0  }
0x19: {  	s7 =	sld [smem:$0x3F9C]  }
0x1a: {  	s8 =	sadd.s32 $0xFFFFE003, lr  }
0x1b: {  	s9 =	sadd.s32 $0xFFFFFEF7, lr;
	s5 =	simm.s32 $0xFFFFFFFF;
	p2 =	slt.u32 s8, $0xFFFFF086  }
0x1c: {  	p1 =	slt.u32 s9, $0xF7A;
	s5 =	simm.s32 @!p2 $0x0  }
0x1d: {  	s5 =	simm.s32 @p1 $0x1;
	p0 =	seq.s32 s7, s2  }
0x1e: {  	s7 =	smul.u32 @!p0 $0xF7A, s2;
	p2 =	seq.s32 @!p0 s5, $0x0  }
0x1f: {  	s9 =	smul.u32 $0xF7A, s1;
	s8 =	simm.s32 @!p0 $0x1BF5;
	p2 =	por !p2, p0  }
0x20: {  	[sflag:s8] =	ssyncset.s32 @!p0 $0xFFFFF086;
	s6 =	sadd.s32 @!p0 s3, s7;
	s7 =	simm.s32 @!p0 $0x108  }
0x21: {  	s3 =	sadd.s32 s3, s9;
	s6 =	sadd.s32 @!p0 $0x88, s6;
	s7 =	simm.s32 @p2 $0x1082  }
0x22: {  	[simem:s7], [sflag:s8] =	dma.local @!p0 [hbm:s6], $0xF7A  }
0x23: {  	s9 =	sor.u32 $0xD0000000, s2;
	s6 =	simm.s32 $0x108;
	_ =	swait.ge @!p0 [sflag:s8], $0x0  }
0x24: {  	s3 =	sadd.s32 $0x88, s3;
	s6 =	simm.s32 @!p1 $0x1082;
	[sflag:s4] =	ssyncset.s32 $0xFFFFF086  }
0x25: {  	[simem:s6], [sflag:s4] =	dma.local [hbm:s3], $0xF7A  }
0x26: {  	[smem:$0x3F9C] =	sst s1;
	(tag) =	ssettag s2;
	_ =	strace s9  }
0x27: {  	s1 =	sld [smem:$0x3FAC]  }
0x28: {  	s2 =	sld [smem:$0x3FAD]  }
0x29: {  	s4 =	sld [smem:$0x3FAF]  }
0x2a: {  	p0 =	seq.s32 s5, $0x0;
	s5 =	sld [smem:$0x3FB0]  }
0x2b: {  	s6 =	sld [smem:$0x3FB1]  }
0x2c: {  	s7 =	sld [smem:$0x3FB2]  }
0x2d: {  	s3 =	simm.s32 $0x108;
	s8 =	sld [smem:$0x3FB3]  }
0x2e: {  	s3 =	simm.s32 @!p0 $0x1082;
	s9 =	sld [smem:$0x3FB4]  }
0x2f: {  	lr =	sadd.s32 s0, s3;
	s0 =	sld [smem:$0x3FAB]  }
0x30: {  	s3 =	sld [smem:$0x3FAE]  }
0x31: {  	[smem:$0x3FB7] =	sst s10  }
0x32: {  	s10 =	sld [smem:$0x3FB5];
	_ =	sdelay $0x3  }
0x33: {  	p0 =	seq.s32 s10, $0x1;
	s10 =	sld [smem:$0x3FB7];
	_ =	sdelay $0x3  }
0x34: {  	[smem:$0x3FB7] =	sst s10  }
0x35: {  	s10 =	sld [smem:$0x3FB6];
	_ =	sdelay $0x3  }
0x36: {  	p1 =	seq.s32 s10, $0x1;
	s10 =	sld [smem:$0x3FB7];
	_ =	sdelay $0x3  }
0x37: {  	[smem:$0x3FB7] =	sst s10  }
0x38: {  	s10 =	sld [smem:$0x3FB8]  }
0x39: {  	_ = 	snop;
	(pc) =	sbr.ind lr, $3  }
0x3a: {  	_ = 	snop  }
0x3b: {  	_ = 	snop  }
0x3c: {  	p2 =	seq.s32 s10, $0x1;
	s10 =	sld [smem:$0x3FB7]  }
0x3d: {  	_ =	shalt  }
0x3e: {  	_ =	shalt  }
0x3f: {  	_ =	shalt  }
0x40: {  	_ =	shalt  }
0x41: {  	_ =	shalt  }
0x42: {  	_ =	shalt  }
0x43: {  	_ =	shalt  }
0x44: {  	_ =	shalt  }
0x45: {  	_ =	shalt  }
0x46: {  	_ =	shalt  }
0x47: {  	_ =	shalt  }
0x48: {  	_ =	shalt  }
0x49: {  	_ =	shalt  }
0x4a: {  	_ =	shalt  }
0x4b: {  	_ =	shalt  }
0x4c: {  	_ =	shalt  }
0x4d: {  	_ =	shalt  }
0x4e: {  	_ =	shalt  }
0x4f: {  	_ =	shalt  }
0x50: {  	_ =	shalt  }
0x51: {  	_ =	shalt  }
0x52: {  	_ =	shalt  }
0x53: {  	_ =	shalt  }
0x54: {  	_ =	shalt  }
0x55: {  	_ =	shalt  }
0x56: {  	_ =	shalt  }
0x57: {  	_ =	shalt  }
0x58: {  	_ =	shalt  }
0x59: {  	_ =	shalt  }
0x5a: {  	_ =	shalt  }
0x5b: {  	_ =	shalt  }
0x5c: {  	_ =	shalt  }
0x5d: {  	_ =	shalt  }
0x5e: {  	_ =	shalt  }
0x5f: {  	_ =	shalt  }
0x60: {  	_ =	shalt  }
0x61: {  	_ =	shalt  }
0x62: {  	_ =	shalt  }
0x63: {  	_ =	shalt  }
0x64: {  	_ =	shalt  }
0x65: {  	_ =	shalt  }
0x66: {  	_ =	shalt  }
0x67: {  	_ =	shalt  }
0x68: {  	_ =	shalt  }
0x69: {  	_ =	shalt  }
0x6a: {  	_ =	shalt  }
0x6b: {  	_ =	shalt  }
0x6c: {  	_ =	shalt  }
0x6d: {  	_ =	shalt  }
0x6e: {  	_ =	shalt  }
0x6f: {  	_ =	shalt  }
0x70: {  	_ =	shalt  }
0x71: {  	_ =	shalt  }
0x72: {  	_ =	shalt  }
0x73: {  	_ =	shalt  }
0x74: {  	_ =	shalt  }
0x75: {  	_ =	shalt  }
0x76: {  	_ =	shalt  }
0x77: {  	_ =	shalt  }
0x78: {  	_ =	shalt  }
0x79: {  	_ =	shalt  }
0x7a: {  	_ =	shalt  }
0x7b: {  	_ =	shalt  }
0x7c: {  	_ =	shalt  }
0x7d: {  	_ =	shalt  }
0x7e: {  	_ =	shalt  }
0x7f: {  	_ =	shalt  }
0x80: {  	_ =	shalt  }
0x81: {  	_ =	shalt  }
0x82: {  	_ =	shalt  }
0x83: {  	_ =	shalt  }
0x84: {  	_ =	shalt  }
0x85: {  	_ =	shalt  }
0x86: {  	_ =	shalt  }
0x87: {  	_ =	shalt  }
.Lfunc_end0:
.L_simem_size_0:
called_computation.3_lowered:
.L_overlay_start_0:
0x88: {  	s2 =	sld [smem:$0x3FD9]  }
0x89: {  	s3 =	sld [smem:$0x3FFE];
	_ =	sdelay $0x1  }
0x8a: {  	s1 =	srdreg.scid  }
0x8b: {  	s0 =	sand.u32 $0x1, s1  }
0x8c: {  	s17 =	sshll.u32 s0, $0xA;
	s2 =	sadd.s32 s3, s2  }
0x8d: {  	s2 =	sadd.s32 s2, s17  }
0x8e: {  	[smem:$0x3FC3] =	sst s2  }
0x8f: {  	_ = 	snop  }
0x90: {  	s2 =	sld [smem:$0x3FC7]  }
0x91: {  	s18 =	sld [smem:$0x3FC6];
	(tm) =	ssettm $0x1  }
0x92: {  	s4 =	sld [smem:$0x3FFB];
	_ =	sdelay $0x3  }
0x93: {  	_ =	strace s4  }
0x94: {  	s4 =	sld [smem:$0x3FFC];
	_ =	sdelay $0x3  }
0x95: {  	_ =	strace s4  }
0x96: {  	s4 =	sld [smem:$0x3FFD];
	_ =	sdelay $0x3  }
0x97: {  	_ =	strace s4  }
0x98: {  	_ =	strace $0x8FFFFFFF  }
0x99: {  	s19 =	sld [smem:$0x3FDB];
	_ =	sdelay $0x1  }
0x9a: {  	s5 =	simm.s32 $_scs_section_size  }
0x9b: {  	s6 =	simm.s32 $_size__tile_overlayer_lowered;
	s7 =	simm.s32 $_tile_overlayer_lowered  }
0x9c: {  	s22 =	simm.s32 $0x1BFF;
	s21 =	sshll.u32 s7, $0x1;
	s4 =	sadd.s32 s5, s19  }
0x9d: {  	s8 =	simm.s32 $0x0;
	s20 =	sshll.u32 s6, $0x1;
	s6 =	sadd.s32 s21, s4  }
0x9e: {  	[timem:s8], [sflag:s22] =	dma.local [hbm:s6], s20  }
0x9f: {  	_ =	swait.ge [sflag:s22], s20  }
0xa0: {  	s5 =	ssub.s32 $0x0, s20;
	[sflag:s22] =	ssyncset.done $0x0  }
0xa1: {  	[sflag:s22] =	ssyncadd.s32 s5;
	_ =	sdelay $0x1  }
0xa2: {  	s23 =	simm.s32 $0x1B8B  }
0xa3: {  	_ =	swait.ge [sflag:s23], $0x1  }
0xa4: {  	[sflag:s23] =	ssyncset.done $0x0  }
0xa5: {  	s25 =	simm.s32 $0x1B8E;
	s24 =	sld [smem:$0x3FFE];
	[sflag:s23] =	ssyncadd.s32 $0xFFFFFFFF  }
0xa6: {  	s26 =	simm.s32 $execute0_lowered;
	[smem:$0x3FD2] =	sst s25  }
0xa7: {  	s6 =	sshll.u32 s26, $0x1;
	_ =	strace $0x8000004F;
	[dreg:$0x1] =	wrdreg $0xFFFFFFFF  }
0xa8: {  	s28 =	simm.s32 $_size_execute0_lowered;
	s4 =	sadd.s32 s4, s6;
	[dreg:$0x0] =	wrdreg $0x0  }
0xa9: {  	s6 =	sshll.u32 s28, $0x1;
	[dreg:$0x2] =	wrdreg s4  }
0xaa: {  	[dreg:$0x3] =	wrdreg s6  }
0xab: {  	[dreg:$0x4] =	wrdreg $0xC0  }
0xac: {  	_ =	task [dreg:s8], $0x5FFFF  }
0xad: {  	[dreg:$0x1] =	wrdreg $0xFFFFFFFF  }
0xae: {  	[dreg:$0x0] =	wrdreg $0x60  }
0xaf: {  	[dreg:$0x2] =	wrdreg s24  }
0xb0: {  	[dreg:$0x3] =	wrdreg s2  }
0xb1: {  	[dreg:$0x4] =	wrdreg s18  }
0xb2: {  	[dreg:$0x5] =	wrdreg $0x9  }
0xb3: {  	_ =	task.clear_ibuf [dreg:s8], $0x6FFFF;
	_ =	strace $0x9000004F  }
0xb4: {  	s29 =	simm.s32 $0x9;
	_ =	strace $0x80000051  }
0xb5: {  	_ =	swait.ge [sflag:s29], $0x1  }
0xb6: {  	[sflag:s29] =	ssyncadd.s32 $0xFFFFFFFF  }
0xb7: {  	_ =	strace $0x90000051  }
0xb8: {  	_ =	sfence  }
0xb9: {  	s30 =	sld [smem:$0x0];
	_ =	sdelay $0x2  }
0xba: {  	s31 =	sshll.u32 s1, $0xD;
	s1 =	sshrl.u32 s1, $0x2  }
0xbb: {  	s3 =	sand.u32 $0x4000, s31;
	s1 =	sadd.s32 s1, s30  }
0xbc: {  	s0 =	sor.u32 s3, s0;
	s1 =	sshll.u32 s1, $0x11  }
0xbd: {  	s0 =	sor.u32 s1, s0  }
0xbe: {  	s0 =	sadd.s32 $0x8F2B, s0  }
0xbf: {  	[sflag:s0] =	ssyncadd.remote.s32 $0x1  }
0xc0: {  	_ =	sfence.sel $0xFFFF  }
0xc1: {  	[dreg:$0x0] =	wrdreg $0xFFFFFFFF;
	(pc) =	sbr.abs _section_cstart, $3  }
0xc2: {  	[dreg:$0x1] =	wrdreg $0xFFFFFFFF  }
0xc3: {  	_ =	task.clear_ibuf [dreg:s8], $0x2FFFF;
	_ =	strace $0x9FFFFFFF  }
0xc4: {  	(tm) =	ssettm $0x7FFFFFFF  }
0xc5: {  	_ =	shalt  }
tec
execute0_lowered:
.L_overlay_start_1:
0x0: {  	(tag) =	ssettag $0x1  }
0x1: {  	s3 =	rddreg [dreg:$0x0]  }
0x2: {  	s7 =	rddreg [dreg:$0x1]  }
0x3: {  	s8 =	rddreg [dreg:$0x2]  }
0x4: {  	s0 =	rddreg [dreg:$0x3]  }
0x5: {  	s2 =	simm.s32 $0x0;
	s4 =	srdreg.scid;
	s1 =	stileid.u32  }
0x6: {  	[smem:$0x7FF] =	sst s2;
	s5 =	sand.u32 $0x1, s4;
	s6 =	sshll.u32 s1, $0x8  }
0x7: {  	s4 =	sadd.s32 $0x1200, s3;
	_ =	strace $0x80000050;
	s9 =	sshll.u32 s5, $0x7  }
0x8: {  	s10 =	ssub.s32 $0x2, s5;
	s5 =	sadd.s32 $0x201200, s3;
	s9 =	sor.u32 s9, s6  }
0x9: {  	s12 =	sshrl.u32 s10, $0x1;
	s6 =	sadd.s32 $0x401200, s3;
	s11 =	sshrl.u32 s9, $0x3  }
0xa: {  	s10 =	ssub.s32 s10, s12;
	s29 =	sor.u32 $0x10, s9;
	s30 =	sor.u32 $0x20, s9  }
0xb: {  	s31 =	sor.u32 $0x30, s9;
	s14 =	sor.u32 $0x40, s9;
	s15 =	sor.u32 $0x50, s9  }
0xc: {  	s13 =	sadd.s32 s11, s3;
	s18 =	sadd.s32 s7, s11;
	s3 =	simm.s32 $0x2  }
0xd: {  	[tilespmem:s2], [sflag:$0x2] =	stream.linear.gather [hbm4b:s18+s2], $0x80, $0x38;
	[tilespmem:$0x400] =	vst v63  }
0xe: {  	v0 =	vlaneseq.u32;
	s16 =	sor.u32 $0x60, s9;
	v1 =	vmov s9;
	s17 =	sor.u32 $0x70, s9;
	_ =	swait.ge [sflag:s3], $0x80  }
0xf: {  	v6 =	vmul.u32 $0x1000, v0;
	s19 =	sadd.s32 s8, s11;
	v0 =	vmov s29;
	v1 =	vshll.u32 v1, $0xC;
	s20 =	smax.u32 s10, $0x1;
	[sflag:s3] =	ssyncset.done $0x0  }
0x10: {  	v3 =	vmov s31;
	v4 =	vmov s14;
	s10 =	simm.s32 $0x80;
	v7 =	vmov s16;
	p0 =	sne.s32 s20, $0x1;
	[sflag:s3] =	ssyncadd.s32 $0xFFFFFF80  }
0x11: {  	v8 =	vmov s17;
	v2 =	vshll.u32 v0, $0xC;
	v0 =	vor.u32 v6, v1;
	[tilespmem:s10], [sflag:$0x2] =	stream.linear.gather [hbm4b:s19+s2], $0x80, $0x38;
	[tilespmem:$0x400] =	vst v63  }
.Ltmp0:
0x12: {  	s12 =	simm.s32 $0x300;
	s14 =	simm.s32 $0x100;
	v5 =	vshll.u32 v3, $0xC;
	v1 =	vor.u32 v6, v2;
	v2 =	vmov s30;
	(pc) =	sbr.rel @!p0 .LBB2_2-.Ltmp0, $4  }
0x13: {  	s11 =	simm.s32 $0x280;
	s17 =	simm.s32 $0x200;
	v4 =	vshll.u32 v4, $0xC;
	v9 =	vshll.u32 v7, $0xC;
	v2 =	vshll.u32 v2, $0xC;
	_ =	swait.ge [sflag:s3], $0x80  }
0x14: {  	s8 =	sadd.s32 $0x601200, s13;
	s9 =	sadd.s32 $0x601400, s13;
	v3 =	vor.u32 v6, v2;
	v2 =	vor.u32 v6, v4;
	v4 =	vmov s15;
	[sflag:s3] =	ssyncset.done $0x0  }
0x15: {  	s16 =	simm.s32 $0x1;
	s7 =	sadd.s32 $0x601600, s13;
	v8 =	vshll.u32 v8, $0xC;
	v5 =	vor.u32 v6, v5;
	v4 =	vshll.u32 v4, $0xC;
	[sflag:s3] =	ssyncadd.s32 $0xFFFFFF80  }
0x16: {  	s13 =	simm.s32 $0x380;
	s20 =	sadd.s32 $0xFFFFFFFF, s20;
	s15 =	simm.s32 $0x180;
	v7 =	vor.u32 v6, v4;
	v4 =	vor.u32 v6, v9;
	v6 =	vor.u32 v6, v8;
	v8 =	vld [tilespmem:$0x50]  }
.LBB2_1:
0x17: {  	p0 =	sne.s32 s20, $0x1;
	s20 =	sadd.s32 $0xFFFFFFFF, s20;
	v9 =	vld [tilespmem:$0xD0]  }
0x18: {  	v10 =	vld [tilespmem:$0x30]  }
0x19: {  	v11 =	vld [tilespmem:$0xB0]  }
0x1a: {  	v12 =	vld [tilespmem:$0x0]  }
0x1b: {  	v13 =	vld [tilespmem:$0x80];
	v14 =	vadd.s32 v7, v8;
	v8 =	vshll.u32 v8, $0xC  }
0x1c: {  	[tilespmem:$0x150] =	vst v14;
	v8 =	vadd.s32 v9, v8;
	v14 =	vld [tilespmem:$0x70]  }
0x1d: {  	v9 =	vadd.s32 v7, v9;
	v15 =	vadd.s32 v5, v10;
	v10 =	vshll.u32 v10, $0xC;
	[tilespmem:$0x250] =	vst v8;
	v8 =	vld [tilespmem:$0xF0]  }
0x1e: {  	v16 =	vadd.s32 v5, v11;
	v10 =	vadd.s32 v11, v10;
	[tilespmem:$0x1D0] =	vst v9  }
0x1f: {  	v9 =	vshll.u32 v12, $0xC;
	[tilespmem:$0x1B0] =	vst v16;
	v11 =	vld [tilespmem:$0xC0]  }
0x20: {  	v9 =	vadd.s32 v13, v9;
	[tilespmem:$0x130] =	vst v15;
	v15 =	vld [tilespmem:$0x40]  }
0x21: {  	v16 =	vld [tilespmem:$0x20];
	[tilespmem:$0x230] =	vst v10;
	v10 =	vadd.s32 v6, v14;
	v14 =	vshll.u32 v14, $0xC  }
0x22: {  	v12 =	vadd.s32 v0, v12;
	v17 =	vld [tilespmem:$0xA0];
	[tilespmem:$0x170] =	vst v10;
	v10 =	vadd.s32 v8, v14  }
0x23: {  	v8 =	vadd.s32 v6, v8;
	v14 =	vld [tilespmem:$0xE0];
	[tilespmem:$0x270] =	vst v10  }
0x24: {  	v10 =	vld [tilespmem:$0x60];
	[tilespmem:$0x1F0] =	vst v8  }
0x25: {  	[tilespmem:$0x100] =	vst v12;
	v8 =	vld [tilespmem:$0x10];
	v12 =	vshll.u32 v15, $0xC  }
0x26: {  	v15 =	vadd.s32 v2, v15;
	[tilespmem:$0x200] =	vst v9;
	v9 =	vld [tilespmem:$0x90];
	v18 =	vshll.u32 v16, $0xC;
	v12 =	vadd.s32 v11, v12  }
0x27: {  	v13 =	vadd.s32 v0, v13;
	v19 =	vadd.s32 v3, v17;
	v17 =	vadd.s32 v17, v18;
	[tilespmem:$0x140] =	vst v15  }
0x28: {  	v15 =	vadd.s32 v3, v16;
	[tilespmem:$0x1A0] =	vst v19;
	v16 =	vadd.s32 v4, v14  }
0x29: {  	v18 =	vadd.s32 v4, v10;
	[tilespmem:$0x1E0] =	vst v16;
	v10 =	vshll.u32 v10, $0xC  }
0x2a: {  	v11 =	vadd.s32 v2, v11;
	v16 =	vshll.u32 v8, $0xC;
	[tilespmem:$0x120] =	vst v15;
	v10 =	vadd.s32 v14, v10  }
0x2b: {  	v8 =	vadd.s32 v1, v8;
	v14 =	vadd.s32 v1, v9;
	v9 =	vadd.s32 v9, v16;
	[tilespmem:$0x160] =	vst v18  }
0x2c: {  	[tilespmem:$0x190] =	vst v14  }
0x2d: {  	[tilespmem:$0x220] =	vst v17  }
0x2e: {  	[tilespmem:$0x240] =	vst v12  }
0x2f: {  	[tilespmem:$0x260] =	vst v10  }
0x30: {  	[tilespmem:$0x110] =	vst v8  }
0x31: {  	[tilespmem:$0x180] =	vst v13  }
0x32: {  	[tilespmem:$0x1C0] =	vst v11  }
0x33: {  	[tilespmem:$0x210] =	vst v9  }
0x34: {  	[tilespmem:s11], [sflag:$0x1] =	stream.indirect.gather [hbm4b:s4+s10], $0x1, s14, s10, $0xb8;
	[tilespmem:$0x400] =	vst v63  }
0x35: {  	_ = 	snop  }
0x36: {  	[tilespmem:s12], [sflag:$0x1] =	stream.indirect.gather [hbm4b:s5+s10], $0x1, s15, s10, $0xb8;
	[tilespmem:$0x400] =	vst v63  }
0x37: {  	_ = 	snop  }
0x38: {  	[tilespmem:s13], [sflag:$0x1] =	stream.indirect.gather [hbm4b:s6+s10], $0x1, s17, s10, $0xb8;
	[tilespmem:$0x400] =	vst v63  }
0x39: {  	_ =	swait.ge [sflag:s16], $0x80  }
0x3a: {  	[sflag:s16] =	ssyncset.done $0x0  }
0x3b: {  	[sflag:s16] =	ssyncadd.s32 $0xFFFFFF80  }
0x3c: {  	_ =	swait.ge [sflag:s16], $0x80  }
0x3d: {  	[sflag:s16] =	ssyncset.done $0x0  }
0x3e: {  	[sflag:s16] =	ssyncadd.s32 $0xFFFFFF80  }
0x3f: {  	_ =	swait.ge [sflag:s16], $0x80  }
0x40: {  	[sflag:s16] =	ssyncset.done $0x0  }
0x41: {  	[sflag:s16] =	ssyncadd.s32 $0xFFFFFF80  }
0x42: {  	[hbm4b:s8+s2] =	stream.linear.scatter [tilespmem:s11], [sflag:$0x2], $0x80, $0x38;
	[tilespmem:$0x400] =	vst v63  }
0x43: {  	_ =	swait.ge [sflag:s3], $0x80  }
0x44: {  	[sflag:s3] =	ssyncset.done $0x0  }
0x45: {  	[sflag:s3] =	ssyncadd.s32 $0xFFFFFF80  }
0x46: {  	[hbm4b:s9+s2] =	stream.linear.scatter [tilespmem:s12], [sflag:$0x2], $0x80, $0x38;
	[tilespmem:$0x400] =	vst v63  }
0x47: {  	_ =	swait.ge [sflag:s3], $0x80  }
0x48: {  	[sflag:s3] =	ssyncset.done $0x0  }
0x49: {  	[sflag:s3] =	ssyncadd.s32 $0xFFFFFF80  }
0x4a: {  	[hbm4b:s7+s2] =	stream.linear.scatter [tilespmem:s13], [sflag:$0x2], $0x80, $0x38;
	[tilespmem:$0x400] =	vst v63  }
0x4b: {  	_ =	swait.ge [sflag:s3], $0x80  }
0x4c: {  	[sflag:s3] =	ssyncset.done $0x0  }
0x4d: {  	[sflag:s3] =	ssyncadd.s32 $0xFFFFFF80  }
0x4e: {  	[tilespmem:s2], [sflag:$0x2] =	stream.linear.gather [hbm4b:s18+s2], $0x80, $0x38;
	[tilespmem:$0x400] =	vst v63  }
0x4f: {  	_ =	swait.ge [sflag:s3], $0x80  }
0x50: {  	[sflag:s3] =	ssyncset.done $0x0  }
0x51: {  	[sflag:s3] =	ssyncadd.s32 $0xFFFFFF80  }
0x52: {  	[tilespmem:s10], [sflag:$0x2] =	stream.linear.gather [hbm4b:s19+s2], $0x80, $0x38;
	[tilespmem:$0x400] =	vst v63  }
.Ltmp1:
0x53: {  	_ = 	snop;
	(pc) =	sbr.rel @p0 .LBB2_1-.Ltmp1, $4  }
0x54: {  	_ =	swait.ge [sflag:s3], $0x80  }
0x55: {  	[sflag:s3] =	ssyncset.done $0x0  }
0x56: {  	[sflag:s3] =	ssyncadd.s32 $0xFFFFFF80  }
0x57: {  	v8 =	vld [tilespmem:$0x50]  }
.LBB2_2:
0x58: {  	v9 =	vld [tilespmem:$0xD0];
	_ =	sdelay $0x1  }
0x59: {  	v10 =	vld [tilespmem:$0xB0]  }
0x5a: {  	v11 =	vld [tilespmem:$0x30]  }
0x5b: {  	v29 =	vld [tilespmem:$0x70];
	v12 =	vadd.s32 v7, v8;
	v28 =	vshll.u32 v8, $0xC  }
0x5c: {  	v31 =	vld [tilespmem:$0xF0];
	[tilespmem:$0x150] =	vst v12;
	v8 =	vadd.s32 v9, v28  }
0x5d: {  	v33 =	vld [tilespmem:$0x0];
	v30 =	vadd.s32 v7, v9;
	[tilespmem:$0x250] =	vst v8  }
0x5e: {  	v36 =	vld [tilespmem:$0x40];
	v32 =	vadd.s32 v5, v10;
	[tilespmem:$0x1D0] =	vst v30  }
0x5f: {  	v39 =	vld [tilespmem:$0xA0];
	v34 =	vadd.s32 v5, v11;
	[tilespmem:$0x1B0] =	vst v32  }
0x60: {  	v41 =	vld [tilespmem:$0xE0];
	v37 =	vadd.s32 v6, v29;
	[tilespmem:$0x130] =	vst v34  }
0x61: {  	v44 =	vld [tilespmem:$0x20];
	v42 =	vadd.s32 v6, v31;
	[tilespmem:$0x170] =	vst v37  }
0x62: {  	v46 =	vld [tilespmem:$0x60];
	v7 =	vadd.s32 v0, v33;
	[tilespmem:$0x1F0] =	vst v42  }
0x63: {  	v47 =	vld [tilespmem:$0x90];
	v48 =	vadd.s32 v2, v36;
	[tilespmem:$0x100] =	vst v7  }
0x64: {  	v52 =	vld [tilespmem:$0x10];
	v13 =	vadd.s32 v3, v39;
	[tilespmem:$0x140] =	vst v48  }
0x65: {  	v35 =	vld [tilespmem:$0x80];
	v50 =	vadd.s32 v4, v41;
	[tilespmem:$0x1A0] =	vst v13  }
0x66: {  	v49 =	vld [tilespmem:$0xC0];
	v51 =	vadd.s32 v3, v44;
	[tilespmem:$0x1E0] =	vst v50  }
0x67: {  	v53 =	vadd.s32 v4, v46;
	[tilespmem:$0x120] =	vst v51  }
0x68: {  	v55 =	vadd.s32 v1, v47;
	[tilespmem:$0x160] =	vst v53  }
0x69: {  	v59 =	vadd.s32 v1, v52;
	[tilespmem:$0x190] =	vst v55  }
0x6a: {  	v60 =	vadd.s32 v0, v35;
	[tilespmem:$0x110] =	vst v59  }
0x6b: {  	v11 =	vshll.u32 v11, $0xC;
	v62 =	vadd.s32 v2, v49;
	[tilespmem:$0x180] =	vst v60  }
0x6c: {  	v38 =	vshll.u32 v29, $0xC;
	v10 =	vadd.s32 v10, v11;
	[tilespmem:$0x1C0] =	vst v62  }
0x6d: {  	v43 =	vshll.u32 v33, $0xC;
	v40 =	vadd.s32 v31, v38;
	[tilespmem:$0x230] =	vst v10  }
0x6e: {  	v54 =	vshll.u32 v44, $0xC;
	v45 =	vadd.s32 v35, v43;
	[tilespmem:$0x270] =	vst v40  }
0x6f: {  	v56 =	vshll.u32 v36, $0xC;
	v3 =	vadd.s32 v39, v54;
	[tilespmem:$0x200] =	vst v45  }
0x70: {  	v57 =	vshll.u32 v46, $0xC;
	v4 =	vadd.s32 v49, v56;
	[tilespmem:$0x220] =	vst v3  }
0x71: {  	v61 =	vshll.u32 v52, $0xC;
	v58 =	vadd.s32 v41, v57;
	[tilespmem:$0x240] =	vst v4  }
0x72: {  	v63 =	vadd.s32 v47, v61;
	[tilespmem:$0x260] =	vst v58  }
0x73: {  	[tilespmem:$0x210] =	vst v63  }
0x74: {  	[tilespmem:s11], [sflag:$0x1] =	stream.indirect.gather [hbm4b:s4+s10], $0x1, s14, s10, $0xb8;
	[tilespmem:$0x400] =	vst v63  }
0x75: {  	_ = 	snop  }
0x76: {  	[tilespmem:s12], [sflag:$0x1] =	stream.indirect.gather [hbm4b:s5+s10], $0x1, s15, s10, $0xb8;
	[tilespmem:$0x400] =	vst v63  }
0x77: {  	_ = 	snop  }
0x78: {  	[tilespmem:s13], [sflag:$0x1] =	stream.indirect.gather [hbm4b:s6+s10], $0x1, s17, s10, $0xb8;
	[tilespmem:$0x400] =	vst v63  }
0x79: {  	_ =	swait.ge [sflag:s16], $0x80  }
0x7a: {  	[sflag:s16] =	ssyncset.done $0x0  }
0x7b: {  	[sflag:s16] =	ssyncadd.s32 $0xFFFFFF80  }
0x7c: {  	_ =	swait.ge [sflag:s16], $0x80  }
0x7d: {  	[sflag:s16] =	ssyncset.done $0x0  }
0x7e: {  	[sflag:s16] =	ssyncadd.s32 $0xFFFFFF80  }
0x7f: {  	_ =	swait.ge [sflag:s16], $0x80  }
0x80: {  	[sflag:s16] =	ssyncset.done $0x0  }
0x81: {  	[sflag:s16] =	ssyncadd.s32 $0xFFFFFF80  }
0x82: {  	[hbm4b:s8+s2] =	stream.linear.scatter [tilespmem:s11], [sflag:$0x2], $0x80, $0x38;
	[tilespmem:$0x400] =	vst v63  }
0x83: {  	_ =	swait.ge [sflag:s3], $0x80  }
0x84: {  	[sflag:s3] =	ssyncset.done $0x0  }
0x85: {  	[sflag:s3] =	ssyncadd.s32 $0xFFFFFF80  }
0x86: {  	[hbm4b:s9+s2] =	stream.linear.scatter [tilespmem:s12], [sflag:$0x2], $0x80, $0x38;
	[tilespmem:$0x400] =	vst v63  }
0x87: {  	_ =	swait.ge [sflag:s3], $0x80  }
0x88: {  	[sflag:s3] =	ssyncset.done $0x0  }
0x89: {  	[sflag:s3] =	ssyncadd.s32 $0xFFFFFF80  }
0x8a: {  	[hbm4b:s7+s2] =	stream.linear.scatter [tilespmem:s13], [sflag:$0x2], $0x80, $0x38;
	[tilespmem:$0x400] =	vst v63  }
0x8b: {  	_ =	swait.ge [sflag:s3], $0x80  }
0x8c: {  	[sflag:s3] =	ssyncset.done $0x0  }
0x8d: {  	[sflag:s3] =	ssyncadd.s32 $0xFFFFFF80  }
0x8e: {  	_ =	sfence.sel $0x180000  }
0x8f: {  	[bflag:$0x0] =	sbarrier.arrive $0xFFFF  }
0x90: {  	p0 =	sne.s32 s1, $0x0;
	_ =	strace $0x90000050  }
0x91: {  	s0 =	sadd.s32 @!p0 $0x100000, s0;
	[bflag:$0x2] =	sbarrier.arrive $0xFFFF  }
0x92: {  	[sflag:s0] =	ssyncadd.tile.s32 @!p0 $0x1;
	_ =	shalt  }
.Lfunc_end2:
_tile_overlayer_lowered:
.L_overlay_start_2:
0x93: {  	(tag) =	ssettag $0x2  }
0x94: {  	s0 =	rddreg [dreg:$0x0];
	s2 =	stileid.u32  }
0x95: {  	s1 =	rddreg [dreg:$0x1];
	p0 =	sne.s32 s2, $0x0  }
0x96: {  	s3 =	rddreg [dreg:$0x2];
	[bflag:$0x3] =	sbarrier.arrive $0xFFFF;
	s2 =	simm.s32 @!p0 $0x1C02  }
0x97: {  	[timem:s3], [sflag:s2] =	dma.local @!p0 [hbm:s0], s1  }
0x98: {  	s0 =	simm.s32 @!p0 $0x2  }
0x99: {  	_ =	swait.ge @!p0 [sflag:s0], s1  }
0x9a: {  	s1 =	ssub.s32 @!p0 $0x0, s1;
	[sflag:s0] =	ssyncset.done @!p0 $0x0  }
0x9b: {  	[sflag:s0] =	ssyncadd.s32 @!p0 s1  }
0x9c: {  	[bflag:$0x3] =	sbarrier.arrive $0xFFFF  }
0x9d: {  	_ =	shalt  }

// kernel: sparse-core-data-format-call.1.cloned.1.call-start
scs
called_computation.1_lowered:
.L_overlay_start_0:
0x0: {  	s2 =	sld [smem:$0x3FD9]  }
0x1: {  	s3 =	sld [smem:$0x3FFE];
	_ =	sdelay $0x1  }
0x2: {  	s1 =	srdreg.scid  }
0x3: {  	s0 =	sand.u32 $0x1, s1  }
0x4: {  	s18 =	sshll.u32 s0, $0xA;
	s2 =	sadd.s32 s3, s2  }
0x5: {  	s2 =	sadd.s32 s2, s18  }
0x6: {  	[smem:$0x3FC3] =	sst s2  }
0x7: {  	_ = 	snop  }
0x8: {  	s19 =	sld [smem:$0x3FC8];
	(tm) =	ssettm $0x1  }
0x9: {  	s20 =	sld [smem:$0x3FFB];
	_ =	sdelay $0x3  }
0xa: {  	_ =	strace s20  }
0xb: {  	s2 =	sld [smem:$0x3FFC];
	_ =	sdelay $0x3  }
0xc: {  	_ =	strace s2  }
0xd: {  	s2 =	sld [smem:$0x3FFD];
	_ =	sdelay $0x3  }
0xe: {  	_ =	strace s2  }
0xf: {  	_ =	strace $0x8FFFFFFF  }
0x10: {  	s21 =	sld [smem:$0x3FDB];
	_ =	sdelay $0x1  }
0x11: {  	s4 =	simm.s32 $_scs_section_size  }
0x12: {  	s5 =	simm.s32 $_size__tile_overlayer_lowered;
	s6 =	simm.s32 $_tile_overlayer_lowered  }
0x13: {  	s7 =	simm.s32 $0x1BFF;
	s22 =	sshll.u32 s6, $0x1;
	s4 =	sadd.s32 s4, s21  }
0x14: {  	s23 =	simm.s32 $0x0;
	s5 =	sshll.u32 s5, $0x1;
	s6 =	sadd.s32 s22, s4  }
0x15: {  	[timem:s23], [sflag:s7] =	dma.local [hbm:s6], s5  }
0x16: {  	_ =	swait.ge [sflag:s7], s5  }
0x17: {  	s5 =	ssub.s32 $0x0, s5;
	[sflag:s7] =	ssyncset.done $0x0  }
0x18: {  	[sflag:s7] =	ssyncadd.s32 s5;
	_ =	sdelay $0x1  }
0x19: {  	s24 =	simm.s32 $0x1B8B  }
0x1a: {  	_ =	swait.ge [sflag:s24], $0x1  }
0x1b: {  	[sflag:s24] =	ssyncset.done $0x0  }
0x1c: {  	[sflag:s24] =	ssyncadd.s32 $0xFFFFFFFF  }
0x1d: {  	s5 =	sld [smem:$0x0]  }
0x1e: {  	s6 =	sand.u32 $0xFFFFFFFE, s1  }
0x1f: {  	p0 =	sne.s32 s1, s6  }
0x20: {  	s6 =	sshll.u32 @p0 s6, $0xE  }
0x21: {  	s6 =	sadd.s32 @p0 $0x11B8D, s6;
	s7 =	sshll.u32 @p0 s5, $0x11  }
0x22: {  	s6 =	sor.u32 @p0 s7, s6  }
0x23: {  	[sflag:s6] =	ssyncadd.remote.s32 @p0 $0x1;
	_ =	sdelay $0x1  }
0x24: {  	s6 =	simm.s32 @p0 $0x1B8D  }
0x25: {  	_ =	swait.eq @p0 [sflag:s6], $0x1  }
0x26: {  	[sflag:s6] =	ssyncadd.s32 @p0 $0xFFFFFFFF  }
0x27: {  	s7 =	sshll.u32 @!p0 s1, $0xE  }
0x28: {  	s7 =	sor.u32 @!p0 $0x4000, s7;
	s6 =	simm.s32 @!p0 $0x1B8D  }
0x29: {  	s5 =	sshll.u32 @!p0 s5, $0x11;
	s7 =	sadd.s32 @!p0 $0x11B8D, s7;
	_ =	swait.eq @!p0 [sflag:s6], $0x1  }
0x2a: {  	s5 =	sor.u32 @!p0 s5, s7;
	[sflag:s6] =	ssyncadd.s32 @!p0 $0xFFFFFFFF  }
0x2b: {  	s26 =	simm.s32 $0x1B8E;
	s25 =	sld [smem:$0x3FFE];
	[sflag:s5] =	ssyncadd.remote.s32 @!p0 $0x1  }
0x2c: {  	s27 =	simm.s32 $execute0_lowered;
	[smem:$0x3FD2] =	sst s26  }
0x2d: {  	s6 =	sshll.u32 s27, $0x1;
	_ =	strace $0x80000049;
	[dreg:$0x1] =	wrdreg $0xFFFFFFFF  }
0x2e: {  	s28 =	simm.s32 $_size_execute0_lowered;
	s4 =	sadd.s32 s4, s6;
	[dreg:$0x0] =	wrdreg $0x0  }
0x2f: {  	s6 =	sshll.u32 s28, $0x1;
	[dreg:$0x2] =	wrdreg s4  }
0x30: {  	[dreg:$0x3] =	wrdreg s6  }
0x31: {  	[dreg:$0x4] =	wrdreg $0xC0  }
0x32: {  	_ =	task [dreg:s23], $0x5FFFF  }
0x33: {  	[dreg:$0x1] =	wrdreg $0xFFFFFFFF  }
0x34: {  	[dreg:$0x0] =	wrdreg $0x60  }
0x35: {  	[dreg:$0x2] =	wrdreg s19  }
0x36: {  	[dreg:$0x3] =	wrdreg s25  }
0x37: {  	[dreg:$0x4] =	wrdreg $0xA  }
0x38: {  	_ =	task.clear_ibuf [dreg:s23], $0x5FFFF;
	_ =	strace $0x90000049  }
0x39: {  	s29 =	simm.s32 $0xA;
	_ =	strace $0x8000004B  }
0x3a: {  	_ =	swait.ge [sflag:s29], $0x1  }
0x3b: {  	[sflag:s29] =	ssyncadd.s32 $0xFFFFFFFF  }
0x3c: {  	_ =	strace $0x9000004B  }
0x3d: {  	_ =	sfence  }
0x3e: {  	s30 =	sld [smem:$0x0];
	_ =	sdelay $0x2  }
0x3f: {  	s31 =	sshll.u32 s1, $0xD;
	s1 =	sshrl.u32 s1, $0x2  }
0x40: {  	s4 =	sand.u32 $0x4000, s31;
	s1 =	sadd.s32 s1, s30  }
0x41: {  	s0 =	sor.u32 s4, s0;
	s1 =	sshll.u32 s1, $0x11  }
0x42: {  	s0 =	sor.u32 s1, s0  }
0x43: {  	s0 =	sadd.s32 $0x8F2B, s0  }
0x44: {  	[sflag:s0] =	ssyncadd.remote.s32 $0x1  }
0x45: {  	_ =	sfence.sel $0xFFFF  }
0x46: {  	[dreg:$0x0] =	wrdreg $0xFFFFFFFF;
	(pc) =	sbr.abs _section_cstart, $3  }
0x47: {  	[dreg:$0x1] =	wrdreg $0xFFFFFFFF  }
0x48: {  	_ =	task.clear_ibuf [dreg:s23], $0x2FFFF;
	_ =	strace $0x9FFFFFFF  }
0x49: {  	(tm) =	ssettm $0x7FFFFFFF  }
tec
execute0_lowered:
.L_overlay_start_1:
0x0: {  	(tag) =	ssettag $0x1  }
0x1: {  	s2 =	rddreg [dreg:$0x0]  }
0x2: {  	s1 =	rddreg [dreg:$0x1]  }
0x3: {  	s0 =	rddreg [dreg:$0x2];
	_ =	strace $0x8000004A;
	s4 =	srdreg.scid  }
0x4: {  	s6 =	simm.s32 $0x2;
	s11 =	simm.s32 $0x0;
	p0 =	por $0x0, $0x0  }
.Ltmp0:
0x5: {  	s7 =	simm.s32 $0x1000;
	s12 =	simm.s32 $0x0;
	(pc) =	sbr.rel .LBB1_1-.Ltmp0, $4  }
0x6: {  	s9 =	simm.s32 $0x0;
	s3 =	sadd.s32 $0x201200, s1;
	s5 =	sshll.u32 s4, $0x4  }
0x7: {  	s1 =	stileid.u32;
	s4 =	simm.s32 $0x1;
	s5 =	sand.u32 $0x10, s5  }
0x8: {  	s8 =	simm.s32 $0x0;
	[sflag:s4] =	ssyncpa.u1 $0x0;
	s5 =	sor.u32 s1, s5  }
0x9: {  	[sflag:s6] =	ssyncpa.u1 $0x0;
	s6 =	simm.s32 $0x800;
	s10 =	smov.u32 s5  }
.LBB1_7:
0xa: {  	s13 =	sadd.s32 $0x10, s9  }
0xb: {  	s11 =	sadd.s32 $0x20, s10;
	s15 =	smov.u32 s10;
	p2 =	sgt.s32 s13, $0x1F  }
0xc: {  	p1 =	slt.u32 s8, $0x2;
	s15 =	smov.u32 @p2 s11  }
0xd: {  	s8 =	sadd.s32 $0x1, s8;
	s13 =	simm.s32 @p2 $0x0;
	p2 =	sgt.s32 s15, $0x1FF  }
0xe: {  	s15 =	smov.u32 @p2 s5;
	p2 =	sne.s32 s8, $0x22  }
.Ltmp1:
0xf: {  	_ = 	snop;
	(pc) =	sbr.rel @!p2 .LBB1_8-.Ltmp1, $4  }
0x10: {  	s14 =	simm.s32 @!p1 $0x2  }
0x11: {  	s12 =	smov.u32 s10;
	_ =	swait.ge @!p1 [sflag:s14], $0x4000  }
0x12: {  	p0 =	por !p0, !p0;
	s11 =	smov.u32 s9;
	[sflag:s14] =	ssyncset.done @!p1 $0x0  }
0x13: {  	s9 =	smov.u32 s13;
	[sflag:s14] =	ssyncadd.s32 @!p1 $0xFFFFC000;
	s10 =	smov.u32 s15  }
.LBB1_1:
0x14: {  	p1 =	sgt.u32 s8, $0x1F  }
0x15: {  	s13 =	sxor.u32 @!p1 $0xFFFFFFFF, s8;
	s14 =	sshll.u32 @!p1 s10, $0xC  }
0x16: {  	s15 =	sshll.u32 @!p1 s9, $0x7;
	s13 =	sshll.u32 @!p1 s13, $0xE;
	s14 =	sadd.s32 @!p1 s2, s14  }
0x17: {  	s13 =	sand.u32 @!p1 $0x4000, s13;
	s14 =	sadd.s32 @!p1 s15, s14;
	s15 =	simm.s32 @!p1 $0x0  }
0x18: {  	[tilespmem:s13], [sflag:$0x1] =	stream.linear.gather @!p1 [hbm4b:s14+s15], $0x4000, $0x38;
	[tilespmem:$0x10000] =	vst v63  }
0x19: {  	p1 =	seq.s32 s8, $0x0  }
0x1a: {  	p2 =	seq.s32 @!p1 s8, $0x21  }
0x1b: {  	p1 =	por p1, p2  }
.Ltmp2:
0x1c: {  	_ = 	snop;
	(pc) =	sbr.rel @p1 .LBB1_7-.Ltmp2, $1  }
0x1d: {  	_ =	sdelay $0x3  }
0x1e: {  	s13 =	simm.s32 $0x1;
	_ =	swait.ge [sflag:s4], $0x4000;
	s16 =	sshll.u32 s8, $0xE  }
0x1f: {  	s13 =	simm.s32 @!p0 $0x0;
	[sflag:s4] =	ssyncset.done $0x0;
	s31 =	sand.u32 $0x4000, s16  }
0x20: {  	s16 =	simm.s32 $0x0;
	s14 =	sshll.u32 s13, $0xE;
	[sflag:s4] =	ssyncadd.s32 $0xFFFFC000  }
0x21: {  	s13 =	sor.u32 $0x8040, s14;
	s15 =	sor.u32 $0x40, s14;
	s14 =	sor.u32 $0x8000, s31  }
.LBB1_3:
0x22: {  	v0 =	vmov s15;
	_ =	sdelay $0x3  }
0x23: {  	s18 =	simm.s32 $0x0  }
0x24: {  	v6 =	vld.idx.msk [tilespmem:v0+s18+$0x30 ss:$0x1], $0xffff  }
0x25: {  	v7 =	vld.idx.msk [tilespmem:v0+s18+$0xFFFFFFC0 ss:$0x1], $0xffff  }
0x26: {  	v5 =	vld.idx.msk [tilespmem:v0+s18+$0xFFFFFFD0 ss:$0x1], $0xffff  }
0x27: {  	v4 =	vld.idx.msk [tilespmem:v0+s18+$0xFFFFFFE0 ss:$0x1], $0xffff  }
0x28: {  	v3 =	vld.idx.msk [tilespmem:v0+s18+$0xFFFFFFF0 ss:$0x1], $0xffff  }
0x29: {  	v1 =	vld.idx.msk [tilespmem:v0+s18+$0x0 ss:$0x1], $0xffff  }
0x2a: {  	v2 =	vld.idx.msk [tilespmem:v0+s18+$0x10 ss:$0x1], $0xffff;
	[tilespmem:s13+$0x30] =	vst v6  }
0x2b: {  	s17 =	simm.s32 $0x80;
	s19 =	simm.s32 $0x400;
	[tilespmem:s13+$0xFFFFFFC0] =	vst v7;
	v6 =	vld.idx.msk [tilespmem:v0+s18+$0x20 ss:$0x1], $0xffff;
	s18 =	smov.u32 s13  }
.LBB1_4:
0x2c: {  	p1 =	sne.s32 s19, $0xE00;
	v7 =	vld.idx.msk [tilespmem:v0+s17+$0x30 ss:$0x1], $0xffff;
	[tilespmem:s18+$0xFFFFFFD0] =	vst v5  }
0x2d: {  	v8 =	vld.idx.msk [tilespmem:v0+s17+$0xFFFFFFC0 ss:$0x1], $0xffff;
	[tilespmem:s18+$0xFFFFFFE0] =	vst v4  }
0x2e: {  	v5 =	vld.idx.msk [tilespmem:v0+s17+$0xFFFFFFD0 ss:$0x1], $0xffff;
	[tilespmem:s18+$0xFFFFFFF0] =	vst v3  }
.Ltmp3:
0x2f: {  	v4 =	vld.idx.msk [tilespmem:v0+s17+$0xFFFFFFE0 ss:$0x1], $0xffff;
	[tilespmem:s18+$0x0] =	vst v1;
	(pc) =	sbr.rel @p1 .LBB1_4-.Ltmp3, $4  }
0x30: {  	v3 =	vld.idx.msk [tilespmem:v0+s17+$0xFFFFFFF0 ss:$0x1], $0xffff;
	[tilespmem:s18+$0x10] =	vst v2  }
0x31: {  	v1 =	vld.idx.msk [tilespmem:v0+s17+$0x0 ss:$0x1], $0xffff;
	[tilespmem:s18+$0x20] =	vst v6;
	s18 =	sadd.s32 $0x800, s18  }
0x32: {  	v2 =	vld.idx.msk [tilespmem:v0+s17+$0x10 ss:$0x1], $0xffff;
	[tilespmem:s18+$0x30] =	vst v7  }
0x33: {  	[tilespmem:s18+$0xFFFFFFC0] =	vst v8;
	v6 =	vld.idx.msk [tilespmem:v0+s17+$0x20 ss:$0x1], $0xffff;
	s17 =	sshra.s32 s19, $0x2;
	s19 =	sadd.s32 $0x200, s19  }
0x34: {  	_ =	sdelay $0x2  }
0x35: {  	[tilespmem:s18+$0xFFFFFFD0] =	vst v5  }
0x36: {  	v56 =	vld.idx.msk [tilespmem:v0+s17+$0x30 ss:$0x1], $0xffff;
	[tilespmem:s18+$0xFFFFFFE0] =	vst v4  }
0x37: {  	v57 =	vld.idx.msk [tilespmem:v0+s17+$0xFFFFFFC0 ss:$0x1], $0xffff;
	[tilespmem:s18+$0xFFFFFFF0] =	vst v3  }
0x38: {  	v58 =	vld.idx.msk [tilespmem:v0+s17+$0xFFFFFFD0 ss:$0x1], $0xffff;
	[tilespmem:s18+$0x0] =	vst v1  }
0x39: {  	v59 =	vld.idx.msk [tilespmem:v0+s17+$0xFFFFFFE0 ss:$0x1], $0xffff;
	[tilespmem:s18+$0x10] =	vst v2  }
0x3a: {  	v60 =	vld.idx.msk [tilespmem:v0+s17+$0xFFFFFFF0 ss:$0x1], $0xffff;
	s31 =	sadd.s32 $0x800, s18;
	[tilespmem:s18+$0x20] =	vst v6  }
0x3b: {  	v61 =	vld.idx.msk [tilespmem:v0+s17+$0x0 ss:$0x1], $0xffff;
	[tilespmem:s31+$0x30] =	vst v56  }
0x3c: {  	v62 =	vld.idx.msk [tilespmem:v0+s17+$0x10 ss:$0x1], $0xffff;
	s16 =	sadd.s32 $0x1, s16;
	[tilespmem:s31+$0xFFFFFFC0] =	vst v57  }
0x3d: {  	v63 =	vld.idx.msk [tilespmem:v0+s17+$0x20 ss:$0x1], $0xffff;
	p1 =	sne.s32 s16, $0x10;
	[tilespmem:s31+$0xFFFFFFD0] =	vst v58  }
.Ltmp4:
0x3e: {  	[tilespmem:s31+$0xFFFFFFE0] =	vst v59;
	(pc) =	sbr.rel @p1 .LBB1_3-.Ltmp4, $4  }
0x3f: {  	[tilespmem:s31+$0xFFFFFFF0] =	vst v60  }
0x40: {  	[tilespmem:s31+$0x0] =	vst v61  }
0x41: {  	[tilespmem:s31+$0x10] =	vst v62  }
0x42: {  	s13 =	sadd.s32 $0x80, s13;
	s15 =	sadd.s32 $0x400, s15;
	[tilespmem:s31+$0x20] =	vst v63  }
.Ltmp5:
0x43: {  	(pc) =	sbr.rel .LBB1_7-.Ltmp5, $4  }
0x44: {  	s12 =	sshll.u32 s12, $0xC;
	s11 =	sshll.u32 s11, $0x4  }
0x45: {  	s11 =	sand.u32 $0x1F0, s11;
	s12 =	sadd.s32 s3, s12  }
0x46: {  	s11 =	sadd.s32 s11, s12  }
0x47: {  	[hbm4b:s11+s6] =	stream.strided.scatter [tilespmem:s14], [sflag:$0x2], $0x4000, s7, s6, $0x38;
	[tilespmem:$0x10000] =	vst v63  }
.LBB1_8:
0x48: {  	_ =	sfence.sel $0x180000  }
0x49: {  	s2 =	simm.s32 $0x1;
	[bflag:$0x0] =	sbarrier.arrive $0xFFFF  }
0x4a: {  	s31 =	simm.s32 $0x2;
	[sflag:s2] =	ssyncpa.u1 $0x1  }
0x4b: {  	[sflag:s31] =	ssyncpa.u1 $0x1  }
0x4c: {  	p0 =	sne.s32 s1, $0x0;
	_ =	strace $0x9000004A  }
0x4d: {  	s0 =	sadd.s32 @!p0 $0x100000, s0;
	[bflag:$0x2] =	sbarrier.arrive $0xFFFF  }
0x4e: {  	[sflag:s0] =	ssyncadd.tile.s32 @!p0 $0x1;
	_ =	shalt  }
.Lfunc_end1:
_tile_overlayer_lowered:
.L_overlay_start_2:
0x4f: {  	(tag) =	ssettag $0x2  }
0x50: {  	s0 =	rddreg [dreg:$0x0];
	s2 =	stileid.u32  }
0x51: {  	s1 =	rddreg [dreg:$0x1];
	p0 =	sne.s32 s2, $0x0  }
0x52: {  	s3 =	rddreg [dreg:$0x2];
	[bflag:$0x3] =	sbarrier.arrive $0xFFFF;
	s2 =	simm.s32 @!p0 $0x1C01  }
0x53: {  	[timem:s3], [sflag:s2] =	dma.local @!p0 [hbm:s0], s1  }
0x54: {  	s0 =	simm.s32 @!p0 $0x1  }
0x55: {  	_ =	swait.ge @!p0 [sflag:s0], s1  }
0x56: {  	s1 =	ssub.s32 @!p0 $0x0, s1;
	[sflag:s0] =	ssyncset.done @!p0 $0x0  }
0x57: {  	[sflag:s0] =	ssyncadd.s32 @!p0 s1  }
0x58: {  	[bflag:$0x3] =	sbarrier.arrive $0xFFFF  }
0x59: {  	_ =	shalt  }

// kernel: sparse-core-data-format-call.2.cloned.1.call-start
scs
called_computation.2_lowered:
.L_overlay_start_0:
0x0: {  	s2 =	sld [smem:$0x3FD9]  }
0x1: {  	s3 =	sld [smem:$0x3FFE];
	_ =	sdelay $0x1  }
0x2: {  	s1 =	srdreg.scid  }
0x3: {  	s0 =	sand.u32 $0x1, s1  }
0x4: {  	s18 =	sshll.u32 s0, $0xA;
	s2 =	sadd.s32 s3, s2  }
0x5: {  	s2 =	sadd.s32 s2, s18  }
0x6: {  	[smem:$0x3FC3] =	sst s2  }
0x7: {  	_ = 	snop  }
0x8: {  	s2 =	sld [smem:$0x3FC9];
	(tm) =	ssettm $0x1  }
0x9: {  	s19 =	sld [smem:$0x3FFB];
	_ =	sdelay $0x3  }
0xa: {  	_ =	strace s19  }
0xb: {  	s3 =	sld [smem:$0x3FFC];
	_ =	sdelay $0x3  }
0xc: {  	_ =	strace s3  }
0xd: {  	s3 =	sld [smem:$0x3FFD];
	_ =	sdelay $0x3  }
0xe: {  	_ =	strace s3  }
0xf: {  	_ =	strace $0x8FFFFFFF  }
0x10: {  	s20 =	sld [smem:$0x3FDB];
	_ =	sdelay $0x1  }
0x11: {  	s4 =	simm.s32 $_scs_section_size  }
0x12: {  	s5 =	simm.s32 $_size__tile_overlayer_lowered;
	s6 =	simm.s32 $_tile_overlayer_lowered  }
0x13: {  	s23 =	simm.s32 $0x1BFF;
	s22 =	sshll.u32 s6, $0x1;
	s3 =	sadd.s32 s4, s20  }
0x14: {  	s7 =	simm.s32 $0x0;
	s21 =	sshll.u32 s5, $0x1;
	s5 =	sadd.s32 s22, s3  }
0x15: {  	[timem:s7], [sflag:s23] =	dma.local [hbm:s5], s21  }
0x16: {  	_ =	swait.ge [sflag:s23], s21  }
0x17: {  	s4 =	ssub.s32 $0x0, s21;
	[sflag:s23] =	ssyncset.done $0x0  }
0x18: {  	[sflag:s23] =	ssyncadd.s32 s4;
	_ =	sdelay $0x1  }
0x19: {  	s24 =	simm.s32 $0x1B8B  }
0x1a: {  	_ =	swait.ge [sflag:s24], $0x1  }
0x1b: {  	[sflag:s24] =	ssyncset.done $0x0  }
0x1c: {  	s26 =	simm.s32 $0x1B8E;
	s25 =	sld [smem:$0x3FFE];
	[sflag:s24] =	ssyncadd.s32 $0xFFFFFFFF  }
0x1d: {  	s27 =	simm.s32 $execute0_lowered;
	[smem:$0x3FD2] =	sst s26  }
0x1e: {  	s5 =	sshll.u32 s27, $0x1;
	_ =	strace $0x80000046;
	[dreg:$0x1] =	wrdreg $0xFFFFFFFF  }
0x1f: {  	s28 =	simm.s32 $_size_execute0_lowered;
	s3 =	sadd.s32 s3, s5;
	[dreg:$0x0] =	wrdreg $0x0  }
0x20: {  	s5 =	sshll.u32 s28, $0x1;
	[dreg:$0x2] =	wrdreg s3  }
0x21: {  	[dreg:$0x3] =	wrdreg s5  }
0x22: {  	[dreg:$0x4] =	wrdreg $0xC0  }
0x23: {  	_ =	task [dreg:s7], $0x5FFFF  }
0x24: {  	[dreg:$0x1] =	wrdreg $0xFFFFFFFF  }
0x25: {  	[dreg:$0x0] =	wrdreg $0x60  }
0x26: {  	[dreg:$0x2] =	wrdreg s2  }
0x27: {  	[dreg:$0x3] =	wrdreg s25  }
0x28: {  	[dreg:$0x4] =	wrdreg $0xB  }
0x29: {  	_ =	task.clear_ibuf [dreg:s7], $0x5FFFF;
	_ =	strace $0x90000046  }
0x2a: {  	s29 =	simm.s32 $0xB;
	_ =	strace $0x80000048  }
0x2b: {  	_ =	swait.ge [sflag:s29], $0x1  }
0x2c: {  	[sflag:s29] =	ssyncadd.s32 $0xFFFFFFFF  }
0x2d: {  	_ =	strace $0x90000048  }
0x2e: {  	_ =	sfence  }
0x2f: {  	s30 =	sld [smem:$0x0];
	_ =	sdelay $0x2  }
0x30: {  	s31 =	sshll.u32 s1, $0xD;
	s1 =	sshrl.u32 s1, $0x2  }
0x31: {  	s3 =	sand.u32 $0x4000, s31;
	s1 =	sadd.s32 s1, s30  }
0x32: {  	s0 =	sor.u32 s3, s0;
	s1 =	sshll.u32 s1, $0x11  }
0x33: {  	s0 =	sor.u32 s1, s0  }
0x34: {  	s0 =	sadd.s32 $0x8F2B, s0  }
0x35: {  	[sflag:s0] =	ssyncadd.remote.s32 $0x1  }
0x36: {  	_ =	sfence.sel $0xFFFF  }
0x37: {  	[dreg:$0x0] =	wrdreg $0xFFFFFFFF;
	(pc) =	sbr.abs _section_cstart, $3  }
0x38: {  	[dreg:$0x1] =	wrdreg $0xFFFFFFFF  }
0x39: {  	_ =	task.clear_ibuf [dreg:s7], $0x2FFFF;
	_ =	strace $0x9FFFFFFF  }
0x3a: {  	(tm) =	ssettm $0x7FFFFFFF  }
0x3b: {  	_ =	shalt  }
tec
execute0_lowered:
.L_overlay_start_1:
0x0: {  	(tag) =	ssettag $0x1  }
0x1: {  	s2 =	rddreg [dreg:$0x0]  }
0x2: {  	s1 =	rddreg [dreg:$0x1]  }
0x3: {  	s0 =	rddreg [dreg:$0x2];
	_ =	strace $0x80000047;
	s4 =	srdreg.scid  }
0x4: {  	s6 =	simm.s32 $0x2;
	s11 =	simm.s32 $0x0;
	p0 =	por $0x0, $0x0  }
.Ltmp0:
0x5: {  	s7 =	simm.s32 $0x1000;
	s12 =	simm.s32 $0x0;
	(pc) =	sbr.rel .LBB1_1-.Ltmp0, $4  }
0x6: {  	s9 =	simm.s32 $0x0;
	s3 =	sadd.s32 $0x1200, s1;
	s5 =	sshll.u32 s4, $0x4  }
0x7: {  	s1 =	stileid.u32;
	s4 =	simm.s32 $0x1;
	s5 =	sand.u32 $0x10, s5  }
0x8: {  	s8 =	simm.s32 $0x0;
	[sflag:s4] =	ssyncpa.u1 $0x0;
	s5 =	sor.u32 s1, s5  }
0x9: {  	[sflag:s6] =	ssyncpa.u1 $0x0;
	s6 =	simm.s32 $0x800;
	s10 =	smov.u32 s5  }
.LBB1_7:
0xa: {  	s13 =	sadd.s32 $0x10, s9  }
0xb: {  	s11 =	sadd.s32 $0x20, s10;
	s15 =	smov.u32 s10;
	p2 =	sgt.s32 s13, $0x1F  }
0xc: {  	p1 =	slt.u32 s8, $0x2;
	s15 =	smov.u32 @p2 s11  }
0xd: {  	s8 =	sadd.s32 $0x1, s8;
	s13 =	simm.s32 @p2 $0x0;
	p2 =	sgt.s32 s15, $0x1FF  }
0xe: {  	s15 =	smov.u32 @p2 s5;
	p2 =	sne.s32 s8, $0x22  }
.Ltmp1:
0xf: {  	_ = 	snop;
	(pc) =	sbr.rel @!p2 .LBB1_8-.Ltmp1, $4  }
0x10: {  	s14 =	simm.s32 @!p1 $0x2  }
0x11: {  	s12 =	smov.u32 s10;
	_ =	swait.ge @!p1 [sflag:s14], $0x4000  }
0x12: {  	p0 =	por !p0, !p0;
	s11 =	smov.u32 s9;
	[sflag:s14] =	ssyncset.done @!p1 $0x0  }
0x13: {  	s9 =	smov.u32 s13;
	[sflag:s14] =	ssyncadd.s32 @!p1 $0xFFFFC000;
	s10 =	smov.u32 s15  }
.LBB1_1:
0x14: {  	p1 =	sgt.u32 s8, $0x1F  }
0x15: {  	s13 =	sxor.u32 @!p1 $0xFFFFFFFF, s8;
	s14 =	sshll.u32 @!p1 s10, $0xC  }
0x16: {  	s15 =	sshll.u32 @!p1 s9, $0x7;
	s13 =	sshll.u32 @!p1 s13, $0xE;
	s14 =	sadd.s32 @!p1 s2, s14  }
0x17: {  	s13 =	sand.u32 @!p1 $0x4000, s13;
	s14 =	sadd.s32 @!p1 s15, s14;
	s15 =	simm.s32 @!p1 $0x0  }
0x18: {  	[tilespmem:s13], [sflag:$0x1] =	stream.linear.gather @!p1 [hbm4b:s14+s15], $0x4000, $0x38;
	[tilespmem:$0x10000] =	vst v63  }
0x19: {  	p1 =	seq.s32 s8, $0x0  }
0x1a: {  	p2 =	seq.s32 @!p1 s8, $0x21  }
0x1b: {  	p1 =	por p1, p2  }
.Ltmp2:
0x1c: {  	_ = 	snop;
	(pc) =	sbr.rel @p1 .LBB1_7-.Ltmp2, $1  }
0x1d: {  	_ =	sdelay $0x3  }
0x1e: {  	s13 =	simm.s32 $0x1;
	_ =	swait.ge [sflag:s4], $0x4000;
	s16 =	sshll.u32 s8, $0xE  }
0x1f: {  	s13 =	simm.s32 @!p0 $0x0;
	[sflag:s4] =	ssyncset.done $0x0;
	s31 =	sand.u32 $0x4000, s16  }
0x20: {  	s16 =	simm.s32 $0x0;
	s14 =	sshll.u32 s13, $0xE;
	[sflag:s4] =	ssyncadd.s32 $0xFFFFC000  }
0x21: {  	s13 =	sor.u32 $0x8040, s14;
	s15 =	sor.u32 $0x40, s14;
	s14 =	sor.u32 $0x8000, s31  }
.LBB1_3:
0x22: {  	v0 =	vmov s15;
	_ =	sdelay $0x3  }
0x23: {  	s18 =	simm.s32 $0x0  }
0x24: {  	v6 =	vld.idx.msk [tilespmem:v0+s18+$0x30 ss:$0x1], $0xffff  }
0x25: {  	v7 =	vld.idx.msk [tilespmem:v0+s18+$0xFFFFFFC0 ss:$0x1], $0xffff  }
0x26: {  	v5 =	vld.idx.msk [tilespmem:v0+s18+$0xFFFFFFD0 ss:$0x1], $0xffff  }
0x27: {  	v4 =	vld.idx.msk [tilespmem:v0+s18+$0xFFFFFFE0 ss:$0x1], $0xffff  }
0x28: {  	v3 =	vld.idx.msk [tilespmem:v0+s18+$0xFFFFFFF0 ss:$0x1], $0xffff  }
0x29: {  	v1 =	vld.idx.msk [tilespmem:v0+s18+$0x0 ss:$0x1], $0xffff  }
0x2a: {  	v2 =	vld.idx.msk [tilespmem:v0+s18+$0x10 ss:$0x1], $0xffff;
	[tilespmem:s13+$0x30] =	vst v6  }
0x2b: {  	s17 =	simm.s32 $0x80;
	s19 =	simm.s32 $0x400;
	[tilespmem:s13+$0xFFFFFFC0] =	vst v7;
	v6 =	vld.idx.msk [tilespmem:v0+s18+$0x20 ss:$0x1], $0xffff;
	s18 =	smov.u32 s13  }
.LBB1_4:
0x2c: {  	p1 =	sne.s32 s19, $0xE00;
	v7 =	vld.idx.msk [tilespmem:v0+s17+$0x30 ss:$0x1], $0xffff;
	[tilespmem:s18+$0xFFFFFFD0] =	vst v5  }
0x2d: {  	v8 =	vld.idx.msk [tilespmem:v0+s17+$0xFFFFFFC0 ss:$0x1], $0xffff;
	[tilespmem:s18+$0xFFFFFFE0] =	vst v4  }
0x2e: {  	v5 =	vld.idx.msk [tilespmem:v0+s17+$0xFFFFFFD0 ss:$0x1], $0xffff;
	[tilespmem:s18+$0xFFFFFFF0] =	vst v3  }
.Ltmp3:
0x2f: {  	v4 =	vld.idx.msk [tilespmem:v0+s17+$0xFFFFFFE0 ss:$0x1], $0xffff;
	[tilespmem:s18+$0x0] =	vst v1;
	(pc) =	sbr.rel @p1 .LBB1_4-.Ltmp3, $4  }
0x30: {  	v3 =	vld.idx.msk [tilespmem:v0+s17+$0xFFFFFFF0 ss:$0x1], $0xffff;
	[tilespmem:s18+$0x10] =	vst v2  }
0x31: {  	v1 =	vld.idx.msk [tilespmem:v0+s17+$0x0 ss:$0x1], $0xffff;
	[tilespmem:s18+$0x20] =	vst v6;
	s18 =	sadd.s32 $0x800, s18  }
0x32: {  	v2 =	vld.idx.msk [tilespmem:v0+s17+$0x10 ss:$0x1], $0xffff;
	[tilespmem:s18+$0x30] =	vst v7  }
0x33: {  	[tilespmem:s18+$0xFFFFFFC0] =	vst v8;
	v6 =	vld.idx.msk [tilespmem:v0+s17+$0x20 ss:$0x1], $0xffff;
	s17 =	sshra.s32 s19, $0x2;
	s19 =	sadd.s32 $0x200, s19  }
0x34: {  	_ =	sdelay $0x2  }
0x35: {  	[tilespmem:s18+$0xFFFFFFD0] =	vst v5  }
0x36: {  	v56 =	vld.idx.msk [tilespmem:v0+s17+$0x30 ss:$0x1], $0xffff;
	[tilespmem:s18+$0xFFFFFFE0] =	vst v4  }
0x37: {  	v57 =	vld.idx.msk [tilespmem:v0+s17+$0xFFFFFFC0 ss:$0x1], $0xffff;
	[tilespmem:s18+$0xFFFFFFF0] =	vst v3  }
0x38: {  	v58 =	vld.idx.msk [tilespmem:v0+s17+$0xFFFFFFD0 ss:$0x1], $0xffff;
	[tilespmem:s18+$0x0] =	vst v1  }
0x39: {  	v59 =	vld.idx.msk [tilespmem:v0+s17+$0xFFFFFFE0 ss:$0x1], $0xffff;
	[tilespmem:s18+$0x10] =	vst v2  }
0x3a: {  	v60 =	vld.idx.msk [tilespmem:v0+s17+$0xFFFFFFF0 ss:$0x1], $0xffff;
	s31 =	sadd.s32 $0x800, s18;
	[tilespmem:s18+$0x20] =	vst v6  }
0x3b: {  	v61 =	vld.idx.msk [tilespmem:v0+s17+$0x0 ss:$0x1], $0xffff;
	[tilespmem:s31+$0x30] =	vst v56  }
0x3c: {  	v62 =	vld.idx.msk [tilespmem:v0+s17+$0x10 ss:$0x1], $0xffff;
	s16 =	sadd.s32 $0x1, s16;
	[tilespmem:s31+$0xFFFFFFC0] =	vst v57  }
0x3d: {  	v63 =	vld.idx.msk [tilespmem:v0+s17+$0x20 ss:$0x1], $0xffff;
	p1 =	sne.s32 s16, $0x10;
	[tilespmem:s31+$0xFFFFFFD0] =	vst v58  }
.Ltmp4:
0x3e: {  	[tilespmem:s31+$0xFFFFFFE0] =	vst v59;
	(pc) =	sbr.rel @p1 .LBB1_3-.Ltmp4, $4  }
0x3f: {  	[tilespmem:s31+$0xFFFFFFF0] =	vst v60  }
0x40: {  	[tilespmem:s31+$0x0] =	vst v61  }
0x41: {  	[tilespmem:s31+$0x10] =	vst v62  }
0x42: {  	s13 =	sadd.s32 $0x80, s13;
	s15 =	sadd.s32 $0x400, s15;
	[tilespmem:s31+$0x20] =	vst v63  }
.Ltmp5:
0x43: {  	(pc) =	sbr.rel .LBB1_7-.Ltmp5, $4  }
0x44: {  	s12 =	sshll.u32 s12, $0xC;
	s11 =	sshll.u32 s11, $0x4  }
0x45: {  	s11 =	sand.u32 $0x1F0, s11;
	s12 =	sadd.s32 s3, s12  }
0x46: {  	s11 =	sadd.s32 s11, s12  }
0x47: {  	[hbm4b:s11+s6] =	stream.strided.scatter [tilespmem:s14], [sflag:$0x2], $0x4000, s7, s6, $0x38;
	[tilespmem:$0x10000] =	vst v63  }
.LBB1_8:
0x48: {  	_ =	sfence.sel $0x180000  }
0x49: {  	s2 =	simm.s32 $0x1;
	[bflag:$0x0] =	sbarrier.arrive $0xFFFF  }
0x4a: {  	s31 =	simm.s32 $0x2;
	[sflag:s2] =	ssyncpa.u1 $0x1  }
0x4b: {  	[sflag:s31] =	ssyncpa.u1 $0x1  }
0x4c: {  	p0 =	sne.s32 s1, $0x0;
	_ =	strace $0x90000047  }
0x4d: {  	s0 =	sadd.s32 @!p0 $0x100000, s0;
	[bflag:$0x2] =	sbarrier.arrive $0xFFFF  }
0x4e: {  	[sflag:s0] =	ssyncadd.tile.s32 @!p0 $0x1;
	_ =	shalt  }
.Lfunc_end1:
_tile_overlayer_lowered:
.L_overlay_start_2:
0x4f: {  	(tag) =	ssettag $0x2  }
0x50: {  	s0 =	rddreg [dreg:$0x0];
	s2 =	stileid.u32  }
0x51: {  	s1 =	rddreg [dreg:$0x1];
	p0 =	sne.s32 s2, $0x0  }
0x52: {  	s3 =	rddreg [dreg:$0x2];
	[bflag:$0x3] =	sbarrier.arrive $0xFFFF;
	s2 =	simm.s32 @!p0 $0x1C01  }
0x53: {  	[timem:s3], [sflag:s2] =	dma.local @!p0 [hbm:s0], s1  }
0x54: {  	s0 =	simm.s32 @!p0 $0x1  }
0x55: {  	_ =	swait.ge @!p0 [sflag:s0], s1  }
0x56: {  	s1 =	ssub.s32 @!p0 $0x0, s1;
	[sflag:s0] =	ssyncset.done @!p0 $0x0  }
0x57: {  	[sflag:s0] =	ssyncadd.s32 @!p0 s1  }
0x58: {  	[bflag:$0x3] =	sbarrier.arrive $0xFFFF  }
0x59: {  	_ =	shalt  }

// kernel: sparse-core-data-format-call.cloned.1.call-start
scs
called_computation_lowered:
.L_overlay_start_0:
0x0: {  	s2 =	sld [smem:$0x3FD9]  }
0x1: {  	s3 =	sld [smem:$0x3FFE];
	_ =	sdelay $0x1  }
0x2: {  	s1 =	srdreg.scid  }
0x3: {  	s0 =	sand.u32 $0x1, s1  }
0x4: {  	s18 =	sshll.u32 s0, $0xA;
	s2 =	sadd.s32 s3, s2  }
0x5: {  	s2 =	sadd.s32 s2, s18  }
0x6: {  	[smem:$0x3FC3] =	sst s2  }
0x7: {  	_ = 	snop  }
0x8: {  	s19 =	sld [smem:$0x3FC5];
	(tm) =	ssettm $0x1  }
0x9: {  	s20 =	sld [smem:$0x3FFB];
	_ =	sdelay $0x3  }
0xa: {  	_ =	strace s20  }
0xb: {  	s2 =	sld [smem:$0x3FFC];
	_ =	sdelay $0x3  }
0xc: {  	_ =	strace s2  }
0xd: {  	s2 =	sld [smem:$0x3FFD];
	_ =	sdelay $0x3  }
0xe: {  	_ =	strace s2  }
0xf: {  	_ =	strace $0x8FFFFFFF  }
0x10: {  	s21 =	sld [smem:$0x3FDB];
	_ =	sdelay $0x1  }
0x11: {  	s4 =	simm.s32 $_scs_section_size  }
0x12: {  	s5 =	simm.s32 $_size__tile_overlayer_lowered;
	s6 =	simm.s32 $_tile_overlayer_lowered  }
0x13: {  	s7 =	simm.s32 $0x1BFF;
	s22 =	sshll.u32 s6, $0x1;
	s4 =	sadd.s32 s4, s21  }
0x14: {  	s23 =	simm.s32 $0x0;
	s5 =	sshll.u32 s5, $0x1;
	s6 =	sadd.s32 s22, s4  }
0x15: {  	[timem:s23], [sflag:s7] =	dma.local [hbm:s6], s5  }
0x16: {  	_ =	swait.ge [sflag:s7], s5  }
0x17: {  	s5 =	ssub.s32 $0x0, s5;
	[sflag:s7] =	ssyncset.done $0x0  }
0x18: {  	[sflag:s7] =	ssyncadd.s32 s5;
	_ =	sdelay $0x1  }
0x19: {  	s24 =	simm.s32 $0x1B8B  }
0x1a: {  	_ =	swait.ge [sflag:s24], $0x1  }
0x1b: {  	[sflag:s24] =	ssyncset.done $0x0  }
0x1c: {  	[sflag:s24] =	ssyncadd.s32 $0xFFFFFFFF  }
0x1d: {  	s5 =	sld [smem:$0x0]  }
0x1e: {  	s6 =	sand.u32 $0xFFFFFFFE, s1  }
0x1f: {  	p0 =	sne.s32 s1, s6  }
0x20: {  	s6 =	sshll.u32 @p0 s6, $0xE  }
0x21: {  	s6 =	sadd.s32 @p0 $0x11B8D, s6;
	s7 =	sshll.u32 @p0 s5, $0x11  }
0x22: {  	s6 =	sor.u32 @p0 s7, s6  }
0x23: {  	[sflag:s6] =	ssyncadd.remote.s32 @p0 $0x1;
	_ =	sdelay $0x1  }
0x24: {  	s6 =	simm.s32 @p0 $0x1B8D  }
0x25: {  	_ =	swait.eq @p0 [sflag:s6], $0x1  }
0x26: {  	[sflag:s6] =	ssyncadd.s32 @p0 $0xFFFFFFFF  }
0x27: {  	s7 =	sshll.u32 @!p0 s1, $0xE  }
0x28: {  	s7 =	sor.u32 @!p0 $0x4000, s7;
	s6 =	simm.s32 @!p0 $0x1B8D  }
0x29: {  	s5 =	sshll.u32 @!p0 s5, $0x11;
	s7 =	sadd.s32 @!p0 $0x11B8D, s7;
	_ =	swait.eq @!p0 [sflag:s6], $0x1  }
0x2a: {  	s5 =	sor.u32 @!p0 s5, s7;
	[sflag:s6] =	ssyncadd.s32 @!p0 $0xFFFFFFFF  }
0x2b: {  	s26 =	simm.s32 $0x1B8E;
	s25 =	sld [smem:$0x3FFE];
	[sflag:s5] =	ssyncadd.remote.s32 @!p0 $0x1  }
0x2c: {  	s27 =	simm.s32 $execute0_lowered;
	[smem:$0x3FD2] =	sst s26  }
0x2d: {  	s6 =	sshll.u32 s27, $0x1;
	_ =	strace $0x8000004C;
	[dreg:$0x1] =	wrdreg $0xFFFFFFFF  }
0x2e: {  	s28 =	simm.s32 $_size_execute0_lowered;
	s4 =	sadd.s32 s4, s6;
	[dreg:$0x0] =	wrdreg $0x0  }
0x2f: {  	s6 =	sshll.u32 s28, $0x1;
	[dreg:$0x2] =	wrdreg s4  }
0x30: {  	[dreg:$0x3] =	wrdreg s6  }
0x31: {  	[dreg:$0x4] =	wrdreg $0xC0  }
0x32: {  	_ =	task [dreg:s23], $0x5FFFF  }
0x33: {  	[dreg:$0x1] =	wrdreg $0xFFFFFFFF  }
0x34: {  	[dreg:$0x0] =	wrdreg $0x60  }
0x35: {  	[dreg:$0x2] =	wrdreg s19  }
0x36: {  	[dreg:$0x3] =	wrdreg s25  }
0x37: {  	[dreg:$0x4] =	wrdreg $0x9  }
0x38: {  	_ =	task.clear_ibuf [dreg:s23], $0x5FFFF;
	_ =	strace $0x9000004C  }
0x39: {  	s29 =	simm.s32 $0x9;
	_ =	strace $0x8000004E  }
0x3a: {  	_ =	swait.ge [sflag:s29], $0x1  }
0x3b: {  	[sflag:s29] =	ssyncadd.s32 $0xFFFFFFFF  }
0x3c: {  	_ =	strace $0x9000004E  }
0x3d: {  	_ =	sfence  }
0x3e: {  	s30 =	sld [smem:$0x0];
	_ =	sdelay $0x2  }
0x3f: {  	s31 =	sshll.u32 s1, $0xD;
	s1 =	sshrl.u32 s1, $0x2  }
0x40: {  	s4 =	sand.u32 $0x4000, s31;
	s1 =	sadd.s32 s1, s30  }
0x41: {  	s0 =	sor.u32 s4, s0;
	s1 =	sshll.u32 s1, $0x11  }
0x42: {  	s0 =	sor.u32 s1, s0  }
0x43: {  	s0 =	sadd.s32 $0x8F2B, s0  }
0x44: {  	[sflag:s0] =	ssyncadd.remote.s32 $0x1  }
0x45: {  	_ =	sfence.sel $0xFFFF  }
0x46: {  	[dreg:$0x0] =	wrdreg $0xFFFFFFFF;
	(pc) =	sbr.abs _section_cstart, $3  }
0x47: {  	[dreg:$0x1] =	wrdreg $0xFFFFFFFF  }
0x48: {  	_ =	task.clear_ibuf [dreg:s23], $0x2FFFF;
	_ =	strace $0x9FFFFFFF  }
0x49: {  	(tm) =	ssettm $0x7FFFFFFF  }
tec
execute0_lowered:
.L_overlay_start_1:
0x0: {  	(tag) =	ssettag $0x1  }
0x1: {  	s2 =	rddreg [dreg:$0x0]  }
0x2: {  	s1 =	rddreg [dreg:$0x1]  }
0x3: {  	s0 =	rddreg [dreg:$0x2];
	_ =	strace $0x8000004D;
	s4 =	srdreg.scid  }
0x4: {  	s6 =	simm.s32 $0x2;
	s11 =	simm.s32 $0x0;
	p0 =	por $0x0, $0x0  }
.Ltmp0:
0x5: {  	s7 =	simm.s32 $0x1000;
	s12 =	simm.s32 $0x0;
	(pc) =	sbr.rel .LBB1_1-.Ltmp0, $4  }
0x6: {  	s9 =	simm.s32 $0x0;
	s3 =	sadd.s32 $0x401200, s1;
	s5 =	sshll.u32 s4, $0x4  }
0x7: {  	s1 =	stileid.u32;
	s4 =	simm.s32 $0x1;
	s5 =	sand.u32 $0x10, s5  }
0x8: {  	s8 =	simm.s32 $0x0;
	[sflag:s4] =	ssyncpa.u1 $0x0;
	s5 =	sor.u32 s1, s5  }
0x9: {  	[sflag:s6] =	ssyncpa.u1 $0x0;
	s6 =	simm.s32 $0x800;
	s10 =	smov.u32 s5  }
.LBB1_7:
0xa: {  	s13 =	sadd.s32 $0x10, s9  }
0xb: {  	s11 =	sadd.s32 $0x20, s10;
	s15 =	smov.u32 s10;
	p2 =	sgt.s32 s13, $0x1F  }
0xc: {  	p1 =	slt.u32 s8, $0x2;
	s15 =	smov.u32 @p2 s11  }
0xd: {  	s8 =	sadd.s32 $0x1, s8;
	s13 =	simm.s32 @p2 $0x0;
	p2 =	sgt.s32 s15, $0x1FF  }
0xe: {  	s15 =	smov.u32 @p2 s5;
	p2 =	sne.s32 s8, $0x22  }
.Ltmp1:
0xf: {  	_ = 	snop;
	(pc) =	sbr.rel @!p2 .LBB1_8-.Ltmp1, $4  }
0x10: {  	s14 =	simm.s32 @!p1 $0x2  }
0x11: {  	s12 =	smov.u32 s10;
	_ =	swait.ge @!p1 [sflag:s14], $0x4000  }
0x12: {  	p0 =	por !p0, !p0;
	s11 =	smov.u32 s9;
	[sflag:s14] =	ssyncset.done @!p1 $0x0  }
0x13: {  	s9 =	smov.u32 s13;
	[sflag:s14] =	ssyncadd.s32 @!p1 $0xFFFFC000;
	s10 =	smov.u32 s15  }
.LBB1_1:
0x14: {  	p1 =	sgt.u32 s8, $0x1F  }
0x15: {  	s13 =	sxor.u32 @!p1 $0xFFFFFFFF, s8;
	s14 =	sshll.u32 @!p1 s10, $0xC  }
0x16: {  	s15 =	sshll.u32 @!p1 s9, $0x7;
	s13 =	sshll.u32 @!p1 s13, $0xE;
	s14 =	sadd.s32 @!p1 s2, s14  }
0x17: {  	s13 =	sand.u32 @!p1 $0x4000, s13;
	s14 =	sadd.s32 @!p1 s15, s14;
	s15 =	simm.s32 @!p1 $0x0  }
0x18: {  	[tilespmem:s13], [sflag:$0x1] =	stream.linear.gather @!p1 [hbm4b:s14+s15], $0x4000, $0x38;
	[tilespmem:$0x10000] =	vst v63  }
0x19: {  	p1 =	seq.s32 s8, $0x0  }
0x1a: {  	p2 =	seq.s32 @!p1 s8, $0x21  }
0x1b: {  	p1 =	por p1, p2  }
.Ltmp2:
0x1c: {  	_ = 	snop;
	(pc) =	sbr.rel @p1 .LBB1_7-.Ltmp2, $1  }
0x1d: {  	_ =	sdelay $0x3  }
0x1e: {  	s13 =	simm.s32 $0x1;
	_ =	swait.ge [sflag:s4], $0x4000;
	s16 =	sshll.u32 s8, $0xE  }
0x1f: {  	s13 =	simm.s32 @!p0 $0x0;
	[sflag:s4] =	ssyncset.done $0x0;
	s31 =	sand.u32 $0x4000, s16  }
0x20: {  	s16 =	simm.s32 $0x0;
	s14 =	sshll.u32 s13, $0xE;
	[sflag:s4] =	ssyncadd.s32 $0xFFFFC000  }
0x21: {  	s13 =	sor.u32 $0x8040, s14;
	s15 =	sor.u32 $0x40, s14;
	s14 =	sor.u32 $0x8000, s31  }
.LBB1_3:
0x22: {  	v0 =	vmov s15;
	_ =	sdelay $0x3  }
0x23: {  	s18 =	simm.s32 $0x0  }
0x24: {  	v6 =	vld.idx.msk [tilespmem:v0+s18+$0x30 ss:$0x1], $0xffff  }
0x25: {  	v7 =	vld.idx.msk [tilespmem:v0+s18+$0xFFFFFFC0 ss:$0x1], $0xffff  }
0x26: {  	v5 =	vld.idx.msk [tilespmem:v0+s18+$0xFFFFFFD0 ss:$0x1], $0xffff  }
0x27: {  	v4 =	vld.idx.msk [tilespmem:v0+s18+$0xFFFFFFE0 ss:$0x1], $0xffff  }
0x28: {  	v3 =	vld.idx.msk [tilespmem:v0+s18+$0xFFFFFFF0 ss:$0x1], $0xffff  }
0x29: {  	v1 =	vld.idx.msk [tilespmem:v0+s18+$0x0 ss:$0x1], $0xffff  }
0x2a: {  	v2 =	vld.idx.msk [tilespmem:v0+s18+$0x10 ss:$0x1], $0xffff;
	[tilespmem:s13+$0x30] =	vst v6  }
0x2b: {  	s17 =	simm.s32 $0x80;
	s19 =	simm.s32 $0x400;
	[tilespmem:s13+$0xFFFFFFC0] =	vst v7;
	v6 =	vld.idx.msk [tilespmem:v0+s18+$0x20 ss:$0x1], $0xffff;
	s18 =	smov.u32 s13  }
.LBB1_4:
0x2c: {  	p1 =	sne.s32 s19, $0xE00;
	v7 =	vld.idx.msk [tilespmem:v0+s17+$0x30 ss:$0x1], $0xffff;
	[tilespmem:s18+$0xFFFFFFD0] =	vst v5  }
0x2d: {  	v8 =	vld.idx.msk [tilespmem:v0+s17+$0xFFFFFFC0 ss:$0x1], $0xffff;
	[tilespmem:s18+$0xFFFFFFE0] =	vst v4  }
0x2e: {  	v5 =	vld.idx.msk [tilespmem:v0+s17+$0xFFFFFFD0 ss:$0x1], $0xffff;
	[tilespmem:s18+$0xFFFFFFF0] =	vst v3  }
.Ltmp3:
0x2f: {  	v4 =	vld.idx.msk [tilespmem:v0+s17+$0xFFFFFFE0 ss:$0x1], $0xffff;
	[tilespmem:s18+$0x0] =	vst v1;
	(pc) =	sbr.rel @p1 .LBB1_4-.Ltmp3, $4  }
0x30: {  	v3 =	vld.idx.msk [tilespmem:v0+s17+$0xFFFFFFF0 ss:$0x1], $0xffff;
	[tilespmem:s18+$0x10] =	vst v2  }
0x31: {  	v1 =	vld.idx.msk [tilespmem:v0+s17+$0x0 ss:$0x1], $0xffff;
	[tilespmem:s18+$0x20] =	vst v6;
	s18 =	sadd.s32 $0x800, s18  }
0x32: {  	v2 =	vld.idx.msk [tilespmem:v0+s17+$0x10 ss:$0x1], $0xffff;
	[tilespmem:s18+$0x30] =	vst v7  }
0x33: {  	[tilespmem:s18+$0xFFFFFFC0] =	vst v8;
	v6 =	vld.idx.msk [tilespmem:v0+s17+$0x20 ss:$0x1], $0xffff;
	s17 =	sshra.s32 s19, $0x2;
	s19 =	sadd.s32 $0x200, s19  }
0x34: {  	_ =	sdelay $0x2  }
0x35: {  	[tilespmem:s18+$0xFFFFFFD0] =	vst v5  }
0x36: {  	v56 =	vld.idx.msk [tilespmem:v0+s17+$0x30 ss:$0x1], $0xffff;
	[tilespmem:s18+$0xFFFFFFE0] =	vst v4  }
0x37: {  	v57 =	vld.idx.msk [tilespmem:v0+s17+$0xFFFFFFC0 ss:$0x1], $0xffff;
	[tilespmem:s18+$0xFFFFFFF0] =	vst v3  }
0x38: {  	v58 =	vld.idx.msk [tilespmem:v0+s17+$0xFFFFFFD0 ss:$0x1], $0xffff;
	[tilespmem:s18+$0x0] =	vst v1  }
0x39: {  	v59 =	vld.idx.msk [tilespmem:v0+s17+$0xFFFFFFE0 ss:$0x1], $0xffff;
	[tilespmem:s18+$0x10] =	vst v2  }
0x3a: {  	v60 =	vld.idx.msk [tilespmem:v0+s17+$0xFFFFFFF0 ss:$0x1], $0xffff;
	s31 =	sadd.s32 $0x800, s18;
	[tilespmem:s18+$0x20] =	vst v6  }
0x3b: {  	v61 =	vld.idx.msk [tilespmem:v0+s17+$0x0 ss:$0x1], $0xffff;
	[tilespmem:s31+$0x30] =	vst v56  }
0x3c: {  	v62 =	vld.idx.msk [tilespmem:v0+s17+$0x10 ss:$0x1], $0xffff;
	s16 =	sadd.s32 $0x1, s16;
	[tilespmem:s31+$0xFFFFFFC0] =	vst v57  }
0x3d: {  	v63 =	vld.idx.msk [tilespmem:v0+s17+$0x20 ss:$0x1], $0xffff;
	p1 =	sne.s32 s16, $0x10;
	[tilespmem:s31+$0xFFFFFFD0] =	vst v58  }
.Ltmp4:
0x3e: {  	[tilespmem:s31+$0xFFFFFFE0] =	vst v59;
	(pc) =	sbr.rel @p1 .LBB1_3-.Ltmp4, $4  }
0x3f: {  	[tilespmem:s31+$0xFFFFFFF0] =	vst v60  }
0x40: {  	[tilespmem:s31+$0x0] =	vst v61  }
0x41: {  	[tilespmem:s31+$0x10] =	vst v62  }
0x42: {  	s13 =	sadd.s32 $0x80, s13;
	s15 =	sadd.s32 $0x400, s15;
	[tilespmem:s31+$0x20] =	vst v63  }
.Ltmp5:
0x43: {  	(pc) =	sbr.rel .LBB1_7-.Ltmp5, $4  }
0x44: {  	s12 =	sshll.u32 s12, $0xC;
	s11 =	sshll.u32 s11, $0x4  }
0x45: {  	s11 =	sand.u32 $0x1F0, s11;
	s12 =	sadd.s32 s3, s12  }
0x46: {  	s11 =	sadd.s32 s11, s12  }
0x47: {  	[hbm4b:s11+s6] =	stream.strided.scatter [tilespmem:s14], [sflag:$0x2], $0x4000, s7, s6, $0x38;
	[tilespmem:$0x10000] =	vst v63  }
.LBB1_8:
0x48: {  	_ =	sfence.sel $0x180000  }
0x49: {  	s2 =	simm.s32 $0x1;
	[bflag:$0x0] =	sbarrier.arrive $0xFFFF  }
0x4a: {  	s31 =	simm.s32 $0x2;
	[sflag:s2] =	ssyncpa.u1 $0x1  }
0x4b: {  	[sflag:s31] =	ssyncpa.u1 $0x1  }
0x4c: {  	p0 =	sne.s32 s1, $0x0;
	_ =	strace $0x9000004D  }
0x4d: {  	s0 =	sadd.s32 @!p0 $0x100000, s0;
	[bflag:$0x2] =	sbarrier.arrive $0xFFFF  }
0x4e: {  	[sflag:s0] =	ssyncadd.tile.s32 @!p0 $0x1;
	_ =	shalt  }
.Lfunc_end1:
_tile_overlayer_lowered:
.L_overlay_start_2:
0x4f: {  	(tag) =	ssettag $0x2  }
0x50: {  	s0 =	rddreg [dreg:$0x0];
	s2 =	stileid.u32  }
0x51: {  	s1 =	rddreg [dreg:$0x1];
	p0 =	sne.s32 s2, $0x0  }
0x52: {  	s3 =	rddreg [dreg:$0x2];
	[bflag:$0x3] =	sbarrier.arrive $0xFFFF;
	s2 =	simm.s32 @!p0 $0x1C01  }
0x53: {  	[timem:s3], [sflag:s2] =	dma.local @!p0 [hbm:s0], s1  }
0x54: {  	s0 =	simm.s32 @!p0 $0x1  }
0x55: {  	_ =	swait.ge @!p0 [sflag:s0], s1  }
0x56: {  	s1 =	ssub.s32 @!p0 $0x0, s1;
	[sflag:s0] =	ssyncset.done @!p0 $0x0  }
0x57: {  	[sflag:s0] =	ssyncadd.s32 @!p0 s1  }
0x58: {  	[bflag:$0x3] =	sbarrier.arrive $0xFFFF  }
0x59: {  	_ =	shalt  }

</sc_bundles>
